<compile_context>
chip_gen: v7x
topology: tpu7x:2x2x1
jax: 0.10.2.dev20260603
libtpu: 0.0.44.dev20260713+nightly
codegen_flags: <defaults>
</compile_context>

<pallas_src>
import functools

import jax
import jax.numpy as jnp
from jax import lax
from jax.experimental import pallas as pl
from jax.experimental.pallas import tpu as pltpu
from jax.experimental.pallas import tpu_sc as plsc

NUM_G = 64
CHUNK = 128
NPAD = 10240
NW = 32


def _sc_agg(x, src2, dst2):
    n, d = x.shape
    nch = src2.shape[0]
    rpt = NPAD // 16

    mesh = plsc.VectorSubcoreMesh(core_axis_name="c", subcore_axis_name="s")

    @functools.partial(
        pl.kernel,
        mesh=mesh,
        out_type=(
            jax.ShapeDtypeStruct((2 * NPAD, d), jnp.float32),
            jax.ShapeDtypeStruct((NW, NPAD // 128, 128), jnp.float32),
        ),
        scratch_types=[
            pltpu.VMEM_SHARED((NPAD, d), jnp.float32),
            pltpu.VMEM((NPAD // 128, 128), jnp.float32),
            pltpu.VMEM((CHUNK,), jnp.int32),
            pltpu.VMEM((CHUNK,), jnp.int32),
            pltpu.VMEM((CHUNK, d), jnp.float32),
            pltpu.VMEM((CHUNK,), jnp.int32),
            pltpu.VMEM((CHUNK,), jnp.int32),
            pltpu.VMEM((CHUNK, d), jnp.float32),
            pltpu.SemaphoreType.DMA,
            pltpu.SemaphoreType.DMA,
            pltpu.SemaphoreType.DMA,
            pltpu.SemaphoreType.DMA,
        ],
        compiler_params=pltpu.CompilerParams(
            use_tc_tiling_on_sc=False, needs_layout_passes=False),
    )
    def k(x_hbm, src_hbm, dst_hbm, part_hbm, cnt_hbm,
          acc_sh, hist, sidx, didx, rows, sidx1, didx1, rows1,
          sem, sem1, semi, semi1):
        c = lax.axis_index("c")
        s = lax.axis_index("s")
        wid = s * 2 + c

        def fillz(i, carry):
            for j in range(d // 16):
                rows[i, pl.ds(j * 16, 16)] = jnp.zeros((16,), jnp.float32)
            return carry

        lax.fori_loop(0, CHUNK, fillz, 0)

        def fillh(i, carry):
            for j in range(128 // 16):
                hist[i, pl.ds(j * 16, 16)] = jnp.zeros((16,), jnp.float32)
            return carry

        lax.fori_loop(0, NPAD // 128, fillh, 0)

        r0 = s * rpt
        for j in range(rpt // CHUNK):
            pltpu.sync_copy(rows, acc_sh.at[pl.ds(r0 + j * CHUNK, CHUNK)])
        plsc.subcore_barrier()

        ones16 = jnp.ones((16,), jnp.float32)
        nk = nch // 32 + jnp.where(wid < nch % 32, 1, 0)
        nk2 = nk // 2

        def hist_update(dref):
            for j in range(CHUNK // 16):
                dj = dref[pl.ds(j * 16, 16)]
                plsc.addupdate_scatter(hist, [dj >> 7, dj & 127], ones16)

        def body(kk, carry):
            cid0 = wid + 32 * (2 * kk)
            cid1 = cid0 + 32
            ia0 = pltpu.async_copy(src_hbm.at[cid0], sidx, semi)
            ia1 = pltpu.async_copy(dst_hbm.at[cid0], didx, semi)
            ib0 = pltpu.async_copy(src_hbm.at[cid1], sidx1, semi1)
            ib1 = pltpu.async_copy(dst_hbm.at[cid1], didx1, semi1)
            ia0.wait()
            ia1.wait()
            g0 = pltpu.async_copy(x_hbm.at[sidx], rows, sem)
            ib0.wait()
            ib1.wait()
            g1 = pltpu.async_copy(x_hbm.at[sidx1], rows1, sem1)
            hist_update(didx)
            g0.wait()
            pltpu.sync_copy(rows, acc_sh.at[didx], add=True)
            hist_update(didx1)
            g1.wait()
            pltpu.sync_copy(rows1, acc_sh.at[didx1], add=True)
            return carry

        lax.fori_loop(0, nk2, body, 0)

        @pl.when(nk2 * 2 < nk)
        def _():
            cid = wid + 32 * (nk2 * 2)
            pltpu.sync_copy(src_hbm.at[cid], sidx)
            pltpu.sync_copy(dst_hbm.at[cid], didx)
            g = pltpu.async_copy(x_hbm.at[sidx], rows, sem)
            hist_update(didx)
            g.wait()
            pltpu.sync_copy(rows, acc_sh.at[didx], add=True)
        plsc.subcore_barrier()
        pltpu.sync_copy(acc_sh.at[pl.ds(r0, rpt)],
                        part_hbm.at[pl.ds(c * NPAD + r0, rpt)])
        pltpu.sync_copy(hist, cnt_hbm.at[wid])

    return k(x, src2, dst2)


def _tc_dense(part, cnt, x_p, batch3, wlt, bl, wrt, w1t, b1, w2t, b2):
    d = x_p.shape[1]
    nblk = batch3.shape[0]
    blk = batch3.shape[1]

    def body(part_ref, cnt_ref, x_ref, b_ref, wl_ref, bl_ref, wr_ref,
             w1_ref, b1_ref, w2_ref, b2_ref, out_ref):
        i = pl.program_id(0)
        p = part_ref[0] + part_ref[1]
        cc = jnp.sum(cnt_ref[...], axis=0)
        ccb = lax.broadcast_in_dim(cc, (blk, d), (0,))
        mean = p / jnp.maximum(ccb, 1.0)
        h = (jnp.dot(mean, wl_ref[...], preferred_element_type=jnp.float32)
             + bl_ref[...]
             + jnp.dot(x_ref[...], wr_ref[...],
                       preferred_element_type=jnp.float32))
        h = jnp.maximum(h, 0.0)
        h = jnp.dot(h, w1_ref[...], preferred_element_type=jnp.float32) + b1_ref[...]
        h = jnp.maximum(h, 0.0)
        h = jnp.dot(h, w2_ref[...], preferred_element_type=jnp.float32) + b2_ref[...]
        h = 1.0 / (1.0 + jnp.exp(-h))
        bb = b_ref[0]

        @pl.when(i == 0)
        def _():
            out_ref[...] = jnp.full((NUM_G, d), -jnp.inf, jnp.float32)

        def gbody(g, carry):
            m = jnp.max(jnp.where(bb == g, h, -jnp.inf),
                        axis=0, keepdims=True)
            out_ref[pl.ds(g, 1), :] = jnp.maximum(out_ref[pl.ds(g, 1), :], m)
            return carry

        lax.fori_loop(0, NUM_G, gbody, 0)

    return pl.pallas_call(
        body,
        grid=(nblk,),
        in_specs=[
            pl.BlockSpec((2, blk, d), lambda i: (0, i, 0)),
            pl.BlockSpec((NW, blk), lambda i: (0, i)),
            pl.BlockSpec((blk, d), lambda i: (i, 0)),
            pl.BlockSpec((1, blk, 1), lambda i: (i, 0, 0)),
            pl.BlockSpec((d, d), lambda i: (0, 0)),
            pl.BlockSpec((1, d), lambda i: (0, 0)),
            pl.BlockSpec((d, d), lambda i: (0, 0)),
            pl.BlockSpec((d, 512), lambda i: (0, 0)),
            pl.BlockSpec((1, 512), lambda i: (0, 0)),
            pl.BlockSpec((512, d), lambda i: (0, 0)),
            pl.BlockSpec((1, d), lambda i: (0, 0)),
        ],
        out_specs=pl.BlockSpec((NUM_G, d), lambda i: (0, 0)),
        out_shape=jax.ShapeDtypeStruct((NUM_G, d), jnp.float32),
    )(part, cnt, x_p, batch3, wlt, bl, wrt, w1t, b1, w2t, b2)


@jax.jit
def _run(x, edge_index, batch, W_l, b_l, W_r, W1, b1, W2, b2):
    n, d = x.shape
    e = edge_index.shape[1]
    src2 = edge_index[0].reshape(e // CHUNK, CHUNK)
    dst2 = edge_index[1].reshape(e // CHUNK, CHUNK)
    part2, cnt3 = _sc_agg(x, src2, dst2)
    part = part2.reshape(2, NPAD, d)
    cnt = cnt3.reshape(NW, NPAD)
    x_p = jnp.zeros((NPAD, d), x.dtype).at[:n].set(x)
    batch_p = jnp.concatenate(
        [batch, jnp.full((NPAD - n,), NUM_G, jnp.int32)])
    blk = 1024
    batch3 = batch_p.reshape(NPAD // blk, blk, 1)
    return _tc_dense(part, cnt, x_p, batch3,
                     W_l.T, b_l.reshape(1, -1), W_r.T,
                     W1.T, b1.reshape(1, -1), W2.T, b2.reshape(1, -1))


def kernel(x, edge_index, batch, W_l, b_l, W_r, W1, b1, W2, b2):
    return _run(x, edge_index, batch, W_l, b_l, W_r, W1, b1, W2, b2)

# --- scband reference (transcript-rebuilt; emitter-appended) ---
"""Pipeline reference for scband-gnn-31078383354651 (READ-ONLY COPY).

The authoritative reference and input builder live on the scoring server;
editing this copy changes nothing except your own understanding.
"""

import jax, jax.numpy as jnp
import numpy as np

N, E, D, HIDDEN, NUM_GRAPHS = 10000, 320000, 128, 128, 64


def setup_inputs(seed: int = 0) -> dict:
    key = jax.random.key(seed)
    ks = jax.random.split(key, 12)
    x = jax.random.normal(ks[0], (N, D), dtype=jnp.float32)
    edge_index = jax.random.randint(ks[1], (2, E), 0, N, dtype=jnp.int32)
    batch = jnp.sort(jax.random.randint(ks[2], (N,), 0, NUM_GRAPHS, dtype=jnp.int32))
    s = 1.0 / np.sqrt(D)
    # SAGEConv(input_dim=128, out=128): lin_l (on aggregated neighbors, with bias), lin_r (on root, no bias)
    W_l = jax.random.uniform(ks[3], (128, D), dtype=jnp.float32, minval=-s, maxval=s)
    b_l = jax.random.uniform(ks[4], (128,), dtype=jnp.float32, minval=-s, maxval=s)
    W_r = jax.random.uniform(ks[5], (128, D), dtype=jnp.float32, minval=-s, maxval=s)
    # FC: Linear(128, 512), Linear(512, hidden_dim=128)
    s1 = 1.0 / np.sqrt(128)
    W1 = jax.random.uniform(ks[6], (512, 128), dtype=jnp.float32, minval=-s1, maxval=s1)
    b1 = jax.random.uniform(ks[7], (512,), dtype=jnp.float32, minval=-s1, maxval=s1)
    s2 = 1.0 / np.sqrt(512)
    W2 = jax.random.uniform(ks[8], (HIDDEN, 512), dtype=jnp.float32, minval=-s2, maxval=s2)
    b2 = jax.random.uniform(ks[9], (HIDDEN,), dtype=jnp.float32, minval=-s2, maxval=s2)
    return {"x": x, "edge_index": edge_index, "batch": batch, "W_l": W_l, "b_l": b_l, "W_r": W_r, "W1": W1, "b1": b1, "W2": W2, "b2": b2}


def reference(x, edge_index, batch, W_l, b_l, W_r, W1, b1, W2, b2):
    src = edge_index[0]
    dst = edge_index[1]
    # SAGEConv with mean aggregation: gather source features, mean-reduce at destinations
    msg = jnp.take(x, src, axis=0)
    agg_sum = jax.ops.segment_sum(msg, dst, num_segments=x.shape[0])
    cnt = jax.ops.segment_sum(jnp.ones((src.shape[0],), dtype=x.dtype), dst, num_segments=x.shape[0])
    agg_mean = agg_sum / jnp.clip(cnt, 1.0, None)[:, None]
    h = agg_mean @ W_l.T + b_l + x @ W_r.T
    # FC head: ReLU -> Linear(128,512) -> ReLU -> Linear(512,hidden) -> Sigmoid
    h = jax.nn.relu(h)
    h = h @ W1.T + b1
    h = jax.nn.relu(h)
    h = h @ W2.T + b2
    h = jax.nn.sigmoid(h)
    # global_max_pool over batch assignment
    out = jax.ops.segment_max(h, batch, num_segments=NUM_GRAPHS)
    return out

if __name__ == "__main__":
    import jax
    _d = setup_inputs()
    print(jax.jit(kernel)(*tuple(_d.values())))

</pallas_src>

<mosaic_0001>
#map = affine_map<(d0, d1) -> (0, 0)>
#map1 = affine_map<(d0, d1) -> (0, 0, 0)>
module attributes {stable_mosaic.version = 14 : i64} {
  func.func @k(%arg0: i32, %arg1: i32, %arg2: memref<10000x128xf32, #tpu.memory_space<hbm>>, %arg3: memref<2500x128xi32, #tpu.memory_space<hbm>>, %arg4: memref<2500x128xi32, #tpu.memory_space<hbm>>, %arg5: memref<20480x128xf32, #tpu.memory_space<hbm>>, %arg6: memref<32x80x128xf32, #tpu.memory_space<hbm>>, %arg7: memref<10240x128xf32, #tpu.memory_space<vmem_shared>>, %arg8: memref<80x128xf32, #tpu.memory_space<vmem>>, %arg9: memref<128xi32, #tpu.memory_space<vmem>>, %arg10: memref<128xi32, #tpu.memory_space<vmem>>, %arg11: memref<128x128xf32, #tpu.memory_space<vmem>>, %arg12: memref<128xi32, #tpu.memory_space<vmem>>, %arg13: memref<128xi32, #tpu.memory_space<vmem>>, %arg14: memref<128x128xf32, #tpu.memory_space<vmem>>, %arg15: memref<!tpu.dma_semaphore, #tpu.memory_space<semaphore_mem>>, %arg16: memref<!tpu.dma_semaphore, #tpu.memory_space<semaphore_mem>>, %arg17: memref<!tpu.dma_semaphore, #tpu.memory_space<semaphore_mem>>, %arg18: memref<!tpu.dma_semaphore, #tpu.memory_space<semaphore_mem>>) attributes {dimension_semantics = [#tpu.dimension_semantics<core_parallel>, #tpu.dimension_semantics<subcore_parallel>], iteration_bounds = array<i64: 2, 16>, scalar_prefetch = 0 : i64, scratch_operands = 12 : i64, tpu.core_type = #tpu.core_type<sc_vector_subcore>, window_params = [{transform_indices = #map}, {transform_indices = #map}, {transform_indices = #map}, {transform_indices = #map}, {transform_indices = #map1}]} {
    %mul3A = arith.constant 2 : i32
    %mul3A_0 = arith.muli %arg1, %mul3A : i32
    %add3A = arith.addi %mul3A_0, %arg0 : i32
    %scan3A = arith.constant 0 : i32
    %scan3A_1 = arith.constant 0 : i32
    %scan3A_2 = arith.constant 128 : i32
    %scan3A_3 = arith.addi %scan3A_1, %scan3A_2 : i32
    %scan3A_4 = arith.constant 1 : i32
    scf.for %scan3A_64 = %scan3A_1 to %scan3A_3 step %scan3A_4  : i32 {
      %broadcast_in_dim3A_65 = arith.constant 0.000000e+00 : f32
      %broadcast_in_dim3A_66 = vector.broadcast %broadcast_in_dim3A_65 : f32 to vector<16xf32>
      %swap3A = arith.index_cast %scan3A_64 : i32 to index
      %swap3A_67 = arith.constant 0 : index
      %swap3A_68 = tpu.vector_load %arg11[%swap3A, %swap3A_67] {strides = array<i32>} : memref<128x128xf32, #tpu.memory_space<vmem>>, vector<16xf32>,
      tpu.vector_store %arg11[%swap3A, %swap3A_67], %broadcast_in_dim3A_66 {strides = array<i32>} : memref<128x128xf32, #tpu.memory_space<vmem>>, vector<16xf32>,
      %broadcast_in_dim3A_69 = arith.constant 0.000000e+00 : f32
      %broadcast_in_dim3A_70 = vector.broadcast %broadcast_in_dim3A_69 : f32 to vector<16xf32>
      %swap3A_71 = arith.index_cast %scan3A_64 : i32 to index
      %swap3A_72 = arith.constant 16 : index
      %swap3A_73 = tpu.vector_load %arg11[%swap3A_71, %swap3A_72] {strides = array<i32>} : memref<128x128xf32, #tpu.memory_space<vmem>>, vector<16xf32>,
      tpu.vector_store %arg11[%swap3A_71, %swap3A_72], %broadcast_in_dim3A_70 {strides = array<i32>} : memref<128x128xf32, #tpu.memory_space<vmem>>, vector<16xf32>,
      %broadcast_in_dim3A_74 = arith.constant 0.000000e+00 : f32
      %broadcast_in_dim3A_75 = vector.broadcast %broadcast_in_dim3A_74 : f32 to vector<16xf32>
      %swap3A_76 = arith.index_cast %scan3A_64 : i32 to index
      %swap3A_77 = arith.constant 32 : index
      %swap3A_78 = tpu.vector_load %arg11[%swap3A_76, %swap3A_77] {strides = array<i32>} : memref<128x128xf32, #tpu.memory_space<vmem>>, vector<16xf32>,
      tpu.vector_store %arg11[%swap3A_76, %swap3A_77], %broadcast_in_dim3A_75 {strides = array<i32>} : memref<128x128xf32, #tpu.memory_space<vmem>>, vector<16xf32>,
      %broadcast_in_dim3A_79 = arith.constant 0.000000e+00 : f32
      %broadcast_in_dim3A_80 = vector.broadcast %broadcast_in_dim3A_79 : f32 to vector<16xf32>
      %swap3A_81 = arith.index_cast %scan3A_64 : i32 to index
      %swap3A_82 = arith.constant 48 : index
      %swap3A_83 = tpu.vector_load %arg11[%swap3A_81, %swap3A_82] {strides = array<i32>} : memref<128x128xf32, #tpu.memory_space<vmem>>, vector<16xf32>,
      tpu.vector_store %arg11[%swap3A_81, %swap3A_82], %broadcast_in_dim3A_80 {strides = array<i32>} : memref<128x128xf32, #tpu.memory_space<vmem>>, vector<16xf32>,
      %broadcast_in_dim3A_84 = arith.constant 0.000000e+00 : f32
      %broadcast_in_dim3A_85 = vector.broadcast %broadcast_in_dim3A_84 : f32 to vector<16xf32>
      %swap3A_86 = arith.index_cast %scan3A_64 : i32 to index
      %swap3A_87 = arith.constant 64 : index
      %swap3A_88 = tpu.vector_load %arg11[%swap3A_86, %swap3A_87] {strides = array<i32>} : memref<128x128xf32, #tpu.memory_space<vmem>>, vector<16xf32>,
      tpu.vector_store %arg11[%swap3A_86, %swap3A_87], %broadcast_in_dim3A_85 {strides = array<i32>} : memref<128x128xf32, #tpu.memory_space<vmem>>, vector<16xf32>,
      %broadcast_in_dim3A_89 = arith.constant 0.000000e+00 : f32
      %broadcast_in_dim3A_90 = vector.broadcast %broadcast_in_dim3A_89 : f32 to vector<16xf32>
      %swap3A_91 = arith.index_cast %scan3A_64 : i32 to index
      %swap3A_92 = arith.constant 80 : index
      %swap3A_93 = tpu.vector_load %arg11[%swap3A_91, %swap3A_92] {strides = array<i32>} : memref<128x128xf32, #tpu.memory_space<vmem>>, vector<16xf32>,
      tpu.vector_store %arg11[%swap3A_91, %swap3A_92], %broadcast_in_dim3A_90 {strides = array<i32>} : memref<128x128xf32, #tpu.memory_space<vmem>>, vector<16xf32>,
      %broadcast_in_dim3A_94 = arith.constant 0.000000e+00 : f32
      %broadcast_in_dim3A_95 = vector.broadcast %broadcast_in_dim3A_94 : f32 to vector<16xf32>
      %swap3A_96 = arith.index_cast %scan3A_64 : i32 to index
      %swap3A_97 = arith.constant 96 : index
      %swap3A_98 = tpu.vector_load %arg11[%swap3A_96, %swap3A_97] {strides = array<i32>} : memref<128x128xf32, #tpu.memory_space<vmem>>, vector<16xf32>,
      tpu.vector_store %arg11[%swap3A_96, %swap3A_97], %broadcast_in_dim3A_95 {strides = array<i32>} : memref<128x128xf32, #tpu.memory_space<vmem>>, vector<16xf32>,
      %broadcast_in_dim3A_99 = arith.constant 0.000000e+00 : f32
      %broadcast_in_dim3A_100 = vector.broadcast %broadcast_in_dim3A_99 : f32 to vector<16xf32>
      %swap3A_101 = arith.index_cast %scan3A_64 : i32 to index
      %swap3A_102 = arith.constant 112 : index
      %swap3A_103 = tpu.vector_load %arg11[%swap3A_101, %swap3A_102] {strides = array<i32>} : memref<128x128xf32, #tpu.memory_space<vmem>>, vector<16xf32>,
      tpu.vector_store %arg11[%swap3A_101, %swap3A_102], %broadcast_in_dim3A_100 {strides = array<i32>} : memref<128x128xf32, #tpu.memory_space<vmem>>, vector<16xf32>,
    }
    %scan3A_5 = arith.constant 128 : i32
    %scan3A_6 = arith.constant 0 : i32
    %scan3A_7 = arith.constant 0 : i32
    %scan3A_8 = arith.constant 80 : i32
    %scan3A_9 = arith.addi %scan3A_7, %scan3A_8 : i32
    %scan3A_10 = arith.constant 1 : i32
    scf.for %scan3A_64 = %scan3A_7 to %scan3A_9 step %scan3A_10  : i32 {
      %broadcast_in_dim3A_65 = arith.constant 0.000000e+00 : f32
      %broadcast_in_dim3A_66 = vector.broadcast %broadcast_in_dim3A_65 : f32 to vector<16xf32>
      %swap3A = arith.index_cast %scan3A_64 : i32 to index
      %swap3A_67 = arith.constant 0 : index
      %swap3A_68 = tpu.vector_load %arg8[%swap3A, %swap3A_67] {strides = array<i32>} : memref<80x128xf32, #tpu.memory_space<vmem>>, vector<16xf32>,
      tpu.vector_store %arg8[%swap3A, %swap3A_67], %broadcast_in_dim3A_66 {strides = array<i32>} : memref<80x128xf32, #tpu.memory_space<vmem>>, vector<16xf32>,
      %broadcast_in_dim3A_69 = arith.constant 0.000000e+00 : f32
      %broadcast_in_dim3A_70 = vector.broadcast %broadcast_in_dim3A_69 : f32 to vector<16xf32>
      %swap3A_71 = arith.index_cast %scan3A_64 : i32 to index
      %swap3A_72 = arith.constant 16 : index
      %swap3A_73 = tpu.vector_load %arg8[%swap3A_71, %swap3A_72] {strides = array<i32>} : memref<80x128xf32, #tpu.memory_space<vmem>>, vector<16xf32>,
      tpu.vector_store %arg8[%swap3A_71, %swap3A_72], %broadcast_in_dim3A_70 {strides = array<i32>} : memref<80x128xf32, #tpu.memory_space<vmem>>, vector<16xf32>,
      %broadcast_in_dim3A_74 = arith.constant 0.000000e+00 : f32
      %broadcast_in_dim3A_75 = vector.broadcast %broadcast_in_dim3A_74 : f32 to vector<16xf32>
      %swap3A_76 = arith.index_cast %scan3A_64 : i32 to index
      %swap3A_77 = arith.constant 32 : index
      %swap3A_78 = tpu.vector_load %arg8[%swap3A_76, %swap3A_77] {strides = array<i32>} : memref<80x128xf32, #tpu.memory_space<vmem>>, vector<16xf32>,
      tpu.vector_store %arg8[%swap3A_76, %swap3A_77], %broadcast_in_dim3A_75 {strides = array<i32>} : memref<80x128xf32, #tpu.memory_space<vmem>>, vector<16xf32>,
      %broadcast_in_dim3A_79 = arith.constant 0.000000e+00 : f32
      %broadcast_in_dim3A_80 = vector.broadcast %broadcast_in_dim3A_79 : f32 to vector<16xf32>
      %swap3A_81 = arith.index_cast %scan3A_64 : i32 to index
      %swap3A_82 = arith.constant 48 : index
      %swap3A_83 = tpu.vector_load %arg8[%swap3A_81, %swap3A_82] {strides = array<i32>} : memref<80x128xf32, #tpu.memory_space<vmem>>, vector<16xf32>,
      tpu.vector_store %arg8[%swap3A_81, %swap3A_82], %broadcast_in_dim3A_80 {strides = array<i32>} : memref<80x128xf32, #tpu.memory_space<vmem>>, vector<16xf32>,
      %broadcast_in_dim3A_84 = arith.constant 0.000000e+00 : f32
      %broadcast_in_dim3A_85 = vector.broadcast %broadcast_in_dim3A_84 : f32 to vector<16xf32>
      %swap3A_86 = arith.index_cast %scan3A_64 : i32 to index
      %swap3A_87 = arith.constant 64 : index
      %swap3A_88 = tpu.vector_load %arg8[%swap3A_86, %swap3A_87] {strides = array<i32>} : memref<80x128xf32, #tpu.memory_space<vmem>>, vector<16xf32>,
      tpu.vector_store %arg8[%swap3A_86, %swap3A_87], %broadcast_in_dim3A_85 {strides = array<i32>} : memref<80x128xf32, #tpu.memory_space<vmem>>, vector<16xf32>,
      %broadcast_in_dim3A_89 = arith.constant 0.000000e+00 : f32
      %broadcast_in_dim3A_90 = vector.broadcast %broadcast_in_dim3A_89 : f32 to vector<16xf32>
      %swap3A_91 = arith.index_cast %scan3A_64 : i32 to index
      %swap3A_92 = arith.constant 80 : index
      %swap3A_93 = tpu.vector_load %arg8[%swap3A_91, %swap3A_92] {strides = array<i32>} : memref<80x128xf32, #tpu.memory_space<vmem>>, vector<16xf32>,
      tpu.vector_store %arg8[%swap3A_91, %swap3A_92], %broadcast_in_dim3A_90 {strides = array<i32>} : memref<80x128xf32, #tpu.memory_space<vmem>>, vector<16xf32>,
      %broadcast_in_dim3A_94 = arith.constant 0.000000e+00 : f32
      %broadcast_in_dim3A_95 = vector.broadcast %broadcast_in_dim3A_94 : f32 to vector<16xf32>
      %swap3A_96 = arith.index_cast %scan3A_64 : i32 to index
      %swap3A_97 = arith.constant 96 : index
      %swap3A_98 = tpu.vector_load %arg8[%swap3A_96, %swap3A_97] {strides = array<i32>} : memref<80x128xf32, #tpu.memory_space<vmem>>, vector<16xf32>,
      tpu.vector_store %arg8[%swap3A_96, %swap3A_97], %broadcast_in_dim3A_95 {strides = array<i32>} : memref<80x128xf32, #tpu.memory_space<vmem>>, vector<16xf32>,
      %broadcast_in_dim3A_99 = arith.constant 0.000000e+00 : f32
      %broadcast_in_dim3A_100 = vector.broadcast %broadcast_in_dim3A_99 : f32 to vector<16xf32>
      %swap3A_101 = arith.index_cast %scan3A_64 : i32 to index
      %swap3A_102 = arith.constant 112 : index
      %swap3A_103 = tpu.vector_load %arg8[%swap3A_101, %swap3A_102] {strides = array<i32>} : memref<80x128xf32, #tpu.memory_space<vmem>>, vector<16xf32>,
      tpu.vector_store %arg8[%swap3A_101, %swap3A_102], %broadcast_in_dim3A_100 {strides = array<i32>} : memref<80x128xf32, #tpu.memory_space<vmem>>, vector<16xf32>,
    }
    %scan3A_11 = arith.constant 80 : i32
    %mul3A_12 = arith.constant 640 : i32
    %mul3A_13 = arith.muli %arg1, %mul3A_12 : i32
    %add3A_14 = arith.constant 0 : i32
    %add3A_15 = arith.addi %mul3A_13, %add3A_14 : i32
    "tpu.region"() ({
      %run_scoped3A = tpu.sem_alloc : memref<!tpu.dma_semaphore, #tpu.memory_space<semaphore_mem>>
      %dma_start3A = arith.constant 0 : i32
      %dma_start3A_64 = tpu.memref_slice %arg7[%add3A_15, %dma_start3A] : memref<10240x128xf32, #tpu.memory_space<vmem_shared>> -> memref<128x128xf32, #tpu.memory_space<vmem_shared>>
      %dma_start3A_65 = arith.constant 0 : i32
      %dma_start3A_66 = tpu.memref_slice %arg7[%add3A_15, %dma_start3A_65] : memref<10240x128xf32, #tpu.memory_space<vmem_shared>> -> memref<128x128xf32, #tpu.memory_space<vmem_shared>>
      tpu.enqueue_dma source(%arg11 : memref<128x128xf32, #tpu.memory_space<vmem>>) target(%dma_start3A_66 : memref<128x128xf32, #tpu.memory_space<vmem_shared>>) target_semaphore(%run_scoped3A : memref<!tpu.dma_semaphore, #tpu.memory_space<semaphore_mem>>)
      %dma_wait3A = arith.constant 0 : i32
      %dma_wait3A_67 = tpu.memref_slice %arg7[%add3A_15, %dma_wait3A] : memref<10240x128xf32, #tpu.memory_space<vmem_shared>> -> memref<128x128xf32, #tpu.memory_space<vmem_shared>>
      %dma_wait3A_68 = arith.constant 0 : i32
      %dma_wait3A_69 = tpu.memref_slice %arg7[%add3A_15, %dma_wait3A_68] : memref<10240x128xf32, #tpu.memory_space<vmem_shared>> -> memref<128x128xf32, #tpu.memory_space<vmem_shared>>
      tpu.wait_dma2 semaphore(%run_scoped3A : memref<!tpu.dma_semaphore, #tpu.memory_space<semaphore_mem>>) src(%arg11 : memref<128x128xf32, #tpu.memory_space<vmem>>) dst(%dma_wait3A_69 : memref<128x128xf32, #tpu.memory_space<vmem_shared>>)
      tpu.yield
    }) : () -> ()
    %add3A_16 = arith.constant 128 : i32
    %add3A_17 = arith.addi %mul3A_13, %add3A_16 : i32
    "tpu.region"() ({
      %run_scoped3A = tpu.sem_alloc : memref<!tpu.dma_semaphore, #tpu.memory_space<semaphore_mem>>
      %dma_start3A = arith.constant 0 : i32
      %dma_start3A_64 = tpu.memref_slice %arg7[%add3A_17, %dma_start3A] : memref<10240x128xf32, #tpu.memory_space<vmem_shared>> -> memref<128x128xf32, #tpu.memory_space<vmem_shared>>
      %dma_start3A_65 = arith.constant 0 : i32
      %dma_start3A_66 = tpu.memref_slice %arg7[%add3A_17, %dma_start3A_65] : memref<10240x128xf32, #tpu.memory_space<vmem_shared>> -> memref<128x128xf32, #tpu.memory_space<vmem_shared>>
      tpu.enqueue_dma source(%arg11 : memref<128x128xf32, #tpu.memory_space<vmem>>) target(%dma_start3A_66 : memref<128x128xf32, #tpu.memory_space<vmem_shared>>) target_semaphore(%run_scoped3A : memref<!tpu.dma_semaphore, #tpu.memory_space<semaphore_mem>>)
      %dma_wait3A = arith.constant 0 : i32
      %dma_wait3A_67 = tpu.memref_slice %arg7[%add3A_17, %dma_wait3A] : memref<10240x128xf32, #tpu.memory_space<vmem_shared>> -> memref<128x128xf32, #tpu.memory_space<vmem_shared>>
      %dma_wait3A_68 = arith.constant 0 : i32
      %dma_wait3A_69 = tpu.memref_slice %arg7[%add3A_17, %dma_wait3A_68] : memref<10240x128xf32, #tpu.memory_space<vmem_shared>> -> memref<128x128xf32, #tpu.memory_space<vmem_shared>>
      tpu.wait_dma2 semaphore(%run_scoped3A : memref<!tpu.dma_semaphore, #tpu.memory_space<semaphore_mem>>) src(%arg11 : memref<128x128xf32, #tpu.memory_space<vmem>>) dst(%dma_wait3A_69 : memref<128x128xf32, #tpu.memory_space<vmem_shared>>)
      tpu.yield
    }) : () -> ()
    %add3A_18 = arith.constant 256 : i32
    %add3A_19 = arith.addi %mul3A_13, %add3A_18 : i32
    "tpu.region"() ({
      %run_scoped3A = tpu.sem_alloc : memref<!tpu.dma_semaphore, #tpu.memory_space<semaphore_mem>>
      %dma_start3A = arith.constant 0 : i32
      %dma_start3A_64 = tpu.memref_slice %arg7[%add3A_19, %dma_start3A] : memref<10240x128xf32, #tpu.memory_space<vmem_shared>> -> memref<128x128xf32, #tpu.memory_space<vmem_shared>>
      %dma_start3A_65 = arith.constant 0 : i32
      %dma_start3A_66 = tpu.memref_slice %arg7[%add3A_19, %dma_start3A_65] : memref<10240x128xf32, #tpu.memory_space<vmem_shared>> -> memref<128x128xf32, #tpu.memory_space<vmem_shared>>
      tpu.enqueue_dma source(%arg11 : memref<128x128xf32, #tpu.memory_space<vmem>>) target(%dma_start3A_66 : memref<128x128xf32, #tpu.memory_space<vmem_shared>>) target_semaphore(%run_scoped3A : memref<!tpu.dma_semaphore, #tpu.memory_space<semaphore_mem>>)
      %dma_wait3A = arith.constant 0 : i32
      %dma_wait3A_67 = tpu.memref_slice %arg7[%add3A_19, %dma_wait3A] : memref<10240x128xf32, #tpu.memory_space<vmem_shared>> -> memref<128x128xf32, #tpu.memory_space<vmem_shared>>
      %dma_wait3A_68 = arith.constant 0 : i32
      %dma_wait3A_69 = tpu.memref_slice %arg7[%add3A_19, %dma_wait3A_68] : memref<10240x128xf32, #tpu.memory_space<vmem_shared>> -> memref<128x128xf32, #tpu.memory_space<vmem_shared>>
      tpu.wait_dma2 semaphore(%run_scoped3A : memref<!tpu.dma_semaphore, #tpu.memory_space<semaphore_mem>>) src(%arg11 : memref<128x128xf32, #tpu.memory_space<vmem>>) dst(%dma_wait3A_69 : memref<128x128xf32, #tpu.memory_space<vmem_shared>>)
      tpu.yield
    }) : () -> ()
    %add3A_20 = arith.constant 384 : i32
    %add3A_21 = arith.addi %mul3A_13, %add3A_20 : i32
    "tpu.region"() ({
      %run_scoped3A = tpu.sem_alloc : memref<!tpu.dma_semaphore, #tpu.memory_space<semaphore_mem>>
      %dma_start3A = arith.constant 0 : i32
      %dma_start3A_64 = tpu.memref_slice %arg7[%add3A_21, %dma_start3A] : memref<10240x128xf32, #tpu.memory_space<vmem_shared>> -> memref<128x128xf32, #tpu.memory_space<vmem_shared>>
      %dma_start3A_65 = arith.constant 0 : i32
      %dma_start3A_66 = tpu.memref_slice %arg7[%add3A_21, %dma_start3A_65] : memref<10240x128xf32, #tpu.memory_space<vmem_shared>> -> memref<128x128xf32, #tpu.memory_space<vmem_shared>>
      tpu.enqueue_dma source(%arg11 : memref<128x128xf32, #tpu.memory_space<vmem>>) target(%dma_start3A_66 : memref<128x128xf32, #tpu.memory_space<vmem_shared>>) target_semaphore(%run_scoped3A : memref<!tpu.dma_semaphore, #tpu.memory_space<semaphore_mem>>)
      %dma_wait3A = arith.constant 0 : i32
      %dma_wait3A_67 = tpu.memref_slice %arg7[%add3A_21, %dma_wait3A] : memref<10240x128xf32, #tpu.memory_space<vmem_shared>> -> memref<128x128xf32, #tpu.memory_space<vmem_shared>>
      %dma_wait3A_68 = arith.constant 0 : i32
      %dma_wait3A_69 = tpu.memref_slice %arg7[%add3A_21, %dma_wait3A_68] : memref<10240x128xf32, #tpu.memory_space<vmem_shared>> -> memref<128x128xf32, #tpu.memory_space<vmem_shared>>
      tpu.wait_dma2 semaphore(%run_scoped3A : memref<!tpu.dma_semaphore, #tpu.memory_space<semaphore_mem>>) src(%arg11 : memref<128x128xf32, #tpu.memory_space<vmem>>) dst(%dma_wait3A_69 : memref<128x128xf32, #tpu.memory_space<vmem_shared>>)
      tpu.yield
    }) : () -> ()
    %add3A_22 = arith.constant 512 : i32
    %add3A_23 = arith.addi %mul3A_13, %add3A_22 : i32
    "tpu.region"() ({
      %run_scoped3A = tpu.sem_alloc : memref<!tpu.dma_semaphore, #tpu.memory_space<semaphore_mem>>
      %dma_start3A = arith.constant 0 : i32
      %dma_start3A_64 = tpu.memref_slice %arg7[%add3A_23, %dma_start3A] : memref<10240x128xf32, #tpu.memory_space<vmem_shared>> -> memref<128x128xf32, #tpu.memory_space<vmem_shared>>
      %dma_start3A_65 = arith.constant 0 : i32
      %dma_start3A_66 = tpu.memref_slice %arg7[%add3A_23, %dma_start3A_65] : memref<10240x128xf32, #tpu.memory_space<vmem_shared>> -> memref<128x128xf32, #tpu.memory_space<vmem_shared>>
      tpu.enqueue_dma source(%arg11 : memref<128x128xf32, #tpu.memory_space<vmem>>) target(%dma_start3A_66 : memref<128x128xf32, #tpu.memory_space<vmem_shared>>) target_semaphore(%run_scoped3A : memref<!tpu.dma_semaphore, #tpu.memory_space<semaphore_mem>>)
      %dma_wait3A = arith.constant 0 : i32
      %dma_wait3A_67 = tpu.memref_slice %arg7[%add3A_23, %dma_wait3A] : memref<10240x128xf32, #tpu.memory_space<vmem_shared>> -> memref<128x128xf32, #tpu.memory_space<vmem_shared>>
      %dma_wait3A_68 = arith.constant 0 : i32
      %dma_wait3A_69 = tpu.memref_slice %arg7[%add3A_23, %dma_wait3A_68] : memref<10240x128xf32, #tpu.memory_space<vmem_shared>> -> memref<128x128xf32, #tpu.memory_space<vmem_shared>>
      tpu.wait_dma2 semaphore(%run_scoped3A : memref<!tpu.dma_semaphore, #tpu.memory_space<semaphore_mem>>) src(%arg11 : memref<128x128xf32, #tpu.memory_space<vmem>>) dst(%dma_wait3A_69 : memref<128x128xf32, #tpu.memory_space<vmem_shared>>)
      tpu.yield
    }) : () -> ()
    %barrier3A = arith.constant 0 : index
    tpu.barrier barrier_id(%barrier3A)
    %broadcast_in_dim3A = arith.constant 1.000000e+00 : f32
    %broadcast_in_dim3A_24 = vector.broadcast %broadcast_in_dim3A : f32 to vector<16xf32>
    %lt3A = arith.constant 4 : i32
    %lt3A_25 = arith.cmpi slt, %add3A, %lt3A : i32
    %jit3A = arith.constant 1 : i32
    %jit3A_26 = arith.constant 0 : i32
    %select_n3A = arith.select %lt3A_25, %jit3A, %jit3A_26 : i32
    %add3A_27 = arith.constant 78 : i32
    %add3A_28 = arith.addi %add3A_27, %select_n3A : i32
    %jit3A_29 = arith.constant 2 : i32
    %div3A = arith.divsi %add3A_28, %jit3A_29 : i32
    %sign3A = arith.constant 0 : i32
    %sign3A_30 = arith.cmpi sgt, %add3A_28, %sign3A : i32
    %sign3A_31 = arith.extui %sign3A_30 : i1 to i32
    %sign3A_32 = arith.constant 0 : i32
    %sign3A_33 = arith.cmpi slt, %add3A_28, %sign3A_32 : i32
    %sign3A_34 = arith.extui %sign3A_33 : i1 to i32
    %sign3A_35 = arith.subi %sign3A_31, %sign3A_34 : i32
    %sign3A_36 = arith.constant 0 : i32
    %sign3A_37 = arith.cmpi sgt, %jit3A_29, %sign3A_36 : i32
    %sign3A_38 = arith.extui %sign3A_37 : i1 to i32
    %sign3A_39 = arith.constant 0 : i32
    %sign3A_40 = arith.cmpi slt, %jit3A_29, %sign3A_39 : i32
    %sign3A_41 = arith.extui %sign3A_40 : i1 to i32
    %sign3A_42 = arith.subi %sign3A_38, %sign3A_41 : i32
    %ne3A = arith.cmpi ne, %sign3A_35, %sign3A_42 : i32
    %rem3A = arith.remsi %add3A_28, %jit3A_29 : i32
    %ne3A_43 = arith.constant 0 : i32
    %ne3A_44 = arith.cmpi ne, %rem3A, %ne3A_43 : i32
    %and3A = arith.andi %ne3A, %ne3A_44 : i1
    %sub3A = arith.constant 1 : i32
    %sub3A_45 = arith.subi %div3A, %sub3A : i32
    %select_n3A_46 = arith.select %and3A, %sub3A_45, %div3A : i32
    %while3A = arith.constant 0 : i32
    %while3A_47 = arith.constant 0 : i32
    %while3A_48 = arith.subi %select_n3A_46, %while3A_47 : i32
    %while3A_49 = arith.addi %while3A_47, %while3A_48 : i32
    %while3A_50 = arith.constant 1 : i32
    %while3A_51 = arith.divsi %while3A_48, %while3A_50 : i32
    %while3A_52 = arith.muli %while3A_51, %while3A_50 : i32
    %while3A_53 = arith.addi %while3A_47, %while3A_52 : i32
    %while3A_54 = arith.constant 1 : i32
    scf.for %while3A_64 = %while3A_47 to %while3A_53 step %while3A_54  : i32 {
      %mul3A_65 = arith.constant 2 : i32
      %mul3A_66 = arith.muli %mul3A_65, %while3A_64 : i32
      %mul3A_67 = arith.constant 32 : i32
      %mul3A_68 = arith.muli %mul3A_67, %mul3A_66 : i32
      %add3A_69 = arith.addi %add3A, %mul3A_68 : i32
      %add3A_70 = arith.constant 32 : i32
      %add3A_71 = arith.addi %add3A_69, %add3A_70 : i32
      %dma_start3A = arith.constant 0 : i32
      %dma_start3A_72 = tpu.memref_slice %arg3[%add3A_69, %dma_start3A] : memref<2500x128xi32, #tpu.memory_space<hbm>> -> memref<1x128xi32, #tpu.memory_space<hbm>>
      %dma_start3A_73 = tpu.memref_squeeze %dma_start3A_72 : memref<1x128xi32, #tpu.memory_space<hbm>> -> memref<128xi32, #tpu.memory_space<hbm>>
      %dma_start3A_74 = arith.constant 0 : i32
      %dma_start3A_75 = tpu.memref_slice %arg3[%add3A_69, %dma_start3A_74] : memref<2500x128xi32, #tpu.memory_space<hbm>> -> memref<1x128xi32, #tpu.memory_space<hbm>>
      %dma_start3A_76 = tpu.memref_squeeze %dma_start3A_75 : memref<1x128xi32, #tpu.memory_space<hbm>> -> memref<128xi32, #tpu.memory_space<hbm>>
      tpu.enqueue_dma source(%dma_start3A_76 : memref<128xi32, #tpu.memory_space<hbm>>) target(%arg9 : memref<128xi32, #tpu.memory_space<vmem>>) target_semaphore(%arg17 : memref<!tpu.dma_semaphore, #tpu.memory_space<semaphore_mem>>)
      %dma_start3A_77 = arith.constant 0 : i32
      %dma_start3A_78 = tpu.memref_slice %arg4[%add3A_69, %dma_start3A_77] : memref<2500x128xi32, #tpu.memory_space<hbm>> -> memref<1x128xi32, #tpu.memory_space<hbm>>
      %dma_start3A_79 = tpu.memref_squeeze %dma_start3A_78 : memref<1x128xi32, #tpu.memory_space<hbm>> -> memref<128xi32, #tpu.memory_space<hbm>>
      %dma_start3A_80 = arith.constant 0 : i32
      %dma_start3A_81 = tpu.memref_slice %arg4[%add3A_69, %dma_start3A_80] : memref<2500x128xi32, #tpu.memory_space<hbm>> -> memref<1x128xi32, #tpu.memory_space<hbm>>
      %dma_start3A_82 = tpu.memref_squeeze %dma_start3A_81 : memref<1x128xi32, #tpu.memory_space<hbm>> -> memref<128xi32, #tpu.memory_space<hbm>>
      tpu.enqueue_dma source(%dma_start3A_82 : memref<128xi32, #tpu.memory_space<hbm>>) target(%arg10 : memref<128xi32, #tpu.memory_space<vmem>>) target_semaphore(%arg17 : memref<!tpu.dma_semaphore, #tpu.memory_space<semaphore_mem>>)
      %dma_start3A_83 = arith.constant 0 : i32
      %dma_start3A_84 = tpu.memref_slice %arg3[%add3A_71, %dma_start3A_83] : memref<2500x128xi32, #tpu.memory_space<hbm>> -> memref<1x128xi32, #tpu.memory_space<hbm>>
      %dma_start3A_85 = tpu.memref_squeeze %dma_start3A_84 : memref<1x128xi32, #tpu.memory_space<hbm>> -> memref<128xi32, #tpu.memory_space<hbm>>
      %dma_start3A_86 = arith.constant 0 : i32
      %dma_start3A_87 = tpu.memref_slice %arg3[%add3A_71, %dma_start3A_86] : memref<2500x128xi32, #tpu.memory_space<hbm>> -> memref<1x128xi32, #tpu.memory_space<hbm>>
      %dma_start3A_88 = tpu.memref_squeeze %dma_start3A_87 : memref<1x128xi32, #tpu.memory_space<hbm>> -> memref<128xi32, #tpu.memory_space<hbm>>
      tpu.enqueue_dma source(%dma_start3A_88 : memref<128xi32, #tpu.memory_space<hbm>>) target(%arg12 : memref<128xi32, #tpu.memory_space<vmem>>) target_semaphore(%arg18 : memref<!tpu.dma_semaphore, #tpu.memory_space<semaphore_mem>>)
      %dma_start3A_89 = arith.constant 0 : i32
      %dma_start3A_90 = tpu.memref_slice %arg4[%add3A_71, %dma_start3A_89] : memref<2500x128xi32, #tpu.memory_space<hbm>> -> memref<1x128xi32, #tpu.memory_space<hbm>>
      %dma_start3A_91 = tpu.memref_squeeze %dma_start3A_90 : memref<1x128xi32, #tpu.memory_space<hbm>> -> memref<128xi32, #tpu.memory_space<hbm>>
      %dma_start3A_92 = arith.constant 0 : i32
      %dma_start3A_93 = tpu.memref_slice %arg4[%add3A_71, %dma_start3A_92] : memref<2500x128xi32, #tpu.memory_space<hbm>> -> memref<1x128xi32, #tpu.memory_space<hbm>>
      %dma_start3A_94 = tpu.memref_squeeze %dma_start3A_93 : memref<1x128xi32, #tpu.memory_space<hbm>> -> memref<128xi32, #tpu.memory_space<hbm>>
      tpu.enqueue_dma source(%dma_start3A_94 : memref<128xi32, #tpu.memory_space<hbm>>) target(%arg13 : memref<128xi32, #tpu.memory_space<vmem>>) target_semaphore(%arg18 : memref<!tpu.dma_semaphore, #tpu.memory_space<semaphore_mem>>)
      %dma_wait3A = arith.constant 0 : i32
      %dma_wait3A_95 = tpu.memref_slice %arg3[%add3A_69, %dma_wait3A] : memref<2500x128xi32, #tpu.memory_space<hbm>> -> memref<1x128xi32, #tpu.memory_space<hbm>>
      %dma_wait3A_96 = tpu.memref_squeeze %dma_wait3A_95 : memref<1x128xi32, #tpu.memory_space<hbm>> -> memref<128xi32, #tpu.memory_space<hbm>>
      %dma_wait3A_97 = arith.constant 0 : i32
      %dma_wait3A_98 = tpu.memref_slice %arg3[%add3A_69, %dma_wait3A_97] : memref<2500x128xi32, #tpu.memory_space<hbm>> -> memref<1x128xi32, #tpu.memory_space<hbm>>
      %dma_wait3A_99 = tpu.memref_squeeze %dma_wait3A_98 : memref<1x128xi32, #tpu.memory_space<hbm>> -> memref<128xi32, #tpu.memory_space<hbm>>
      tpu.wait_dma2 semaphore(%arg17 : memref<!tpu.dma_semaphore, #tpu.memory_space<semaphore_mem>>) src(%dma_wait3A_99 : memref<128xi32, #tpu.memory_space<hbm>>) dst(%arg9 : memref<128xi32, #tpu.memory_space<vmem>>)
      %dma_wait3A_100 = arith.constant 0 : i32
      %dma_wait3A_101 = tpu.memref_slice %arg4[%add3A_69, %dma_wait3A_100] : memref<2500x128xi32, #tpu.memory_space<hbm>> -> memref<1x128xi32, #tpu.memory_space<hbm>>
      %dma_wait3A_102 = tpu.memref_squeeze %dma_wait3A_101 : memref<1x128xi32, #tpu.memory_space<hbm>> -> memref<128xi32, #tpu.memory_space<hbm>>
      %dma_wait3A_103 = arith.constant 0 : i32
      %dma_wait3A_104 = tpu.memref_slice %arg4[%add3A_69, %dma_wait3A_103] : memref<2500x128xi32, #tpu.memory_space<hbm>> -> memref<1x128xi32, #tpu.memory_space<hbm>>
      %dma_wait3A_105 = tpu.memref_squeeze %dma_wait3A_104 : memref<1x128xi32, #tpu.memory_space<hbm>> -> memref<128xi32, #tpu.memory_space<hbm>>
      tpu.wait_dma2 semaphore(%arg17 : memref<!tpu.dma_semaphore, #tpu.memory_space<semaphore_mem>>) src(%dma_wait3A_105 : memref<128xi32, #tpu.memory_space<hbm>>) dst(%arg10 : memref<128xi32, #tpu.memory_space<vmem>>)
      %dma_start3A_106 = arith.constant 0 : i32
      %dma_start3A_107 = arith.constant 0 : i32
      %dma_start3A_108 = tpu.memref_slice %arg2[%dma_start3A_106, %dma_start3A_107] : memref<10000x128xf32, #tpu.memory_space<hbm>> -> memref<10000x128xf32, #tpu.memory_space<hbm>>
      tpu.enqueue_indirect_dma source(%dma_start3A_108 : memref<10000x128xf32, #tpu.memory_space<hbm>>) target(%arg11 : memref<128x128xf32, #tpu.memory_space<vmem>>) offsets(%arg9 : memref<128xi32, #tpu.memory_space<vmem>>) semaphore(%arg15 : memref<!tpu.dma_semaphore, #tpu.memory_space<semaphore_mem>>)
      %dma_wait3A_109 = arith.constant 0 : i32
      %dma_wait3A_110 = tpu.memref_slice %arg3[%add3A_71, %dma_wait3A_109] : memref<2500x128xi32, #tpu.memory_space<hbm>> -> memref<1x128xi32, #tpu.memory_space<hbm>>
      %dma_wait3A_111 = tpu.memref_squeeze %dma_wait3A_110 : memref<1x128xi32, #tpu.memory_space<hbm>> -> memref<128xi32, #tpu.memory_space<hbm>>
      %dma_wait3A_112 = arith.constant 0 : i32
      %dma_wait3A_113 = tpu.memref_slice %arg3[%add3A_71, %dma_wait3A_112] : memref<2500x128xi32, #tpu.memory_space<hbm>> -> memref<1x128xi32, #tpu.memory_space<hbm>>
      %dma_wait3A_114 = tpu.memref_squeeze %dma_wait3A_113 : memref<1x128xi32, #tpu.memory_space<hbm>> -> memref<128xi32, #tpu.memory_space<hbm>>
      tpu.wait_dma2 semaphore(%arg18 : memref<!tpu.dma_semaphore, #tpu.memory_space<semaphore_mem>>) src(%dma_wait3A_114 : memref<128xi32, #tpu.memory_space<hbm>>) dst(%arg12 : memref<128xi32, #tpu.memory_space<vmem>>)
      %dma_wait3A_115 = arith.constant 0 : i32
      %dma_wait3A_116 = tpu.memref_slice %arg4[%add3A_71, %dma_wait3A_115] : memref<2500x128xi32, #tpu.memory_space<hbm>> -> memref<1x128xi32, #tpu.memory_space<hbm>>
      %dma_wait3A_117 = tpu.memref_squeeze %dma_wait3A_116 : memref<1x128xi32, #tpu.memory_space<hbm>> -> memref<128xi32, #tpu.memory_space<hbm>>
      %dma_wait3A_118 = arith.constant 0 : i32
      %dma_wait3A_119 = tpu.memref_slice %arg4[%add3A_71, %dma_wait3A_118] : memref<2500x128xi32, #tpu.memory_space<hbm>> -> memref<1x128xi32, #tpu.memory_space<hbm>>
      %dma_wait3A_120 = tpu.memref_squeeze %dma_wait3A_119 : memref<1x128xi32, #tpu.memory_space<hbm>> -> memref<128xi32, #tpu.memory_space<hbm>>
      tpu.wait_dma2 semaphore(%arg18 : memref<!tpu.dma_semaphore, #tpu.memory_space<semaphore_mem>>) src(%dma_wait3A_120 : memref<128xi32, #tpu.memory_space<hbm>>) dst(%arg13 : memref<128xi32, #tpu.memory_space<vmem>>)
      %dma_start3A_121 = arith.constant 0 : i32
      %dma_start3A_122 = arith.constant 0 : i32
      %dma_start3A_123 = tpu.memref_slice %arg2[%dma_start3A_121, %dma_start3A_122] : memref<10000x128xf32, #tpu.memory_space<hbm>> -> memref<10000x128xf32, #tpu.memory_space<hbm>>
      tpu.enqueue_indirect_dma source(%dma_start3A_123 : memref<10000x128xf32, #tpu.memory_space<hbm>>) target(%arg14 : memref<128x128xf32, #tpu.memory_space<vmem>>) offsets(%arg12 : memref<128xi32, #tpu.memory_space<vmem>>) semaphore(%arg16 : memref<!tpu.dma_semaphore, #tpu.memory_space<semaphore_mem>>)
      %get3A = arith.constant 0 : index
      %get3A_124 = tpu.vector_load %arg10[%get3A] {strides = array<i32>} : memref<128xi32, #tpu.memory_space<vmem>>, vector<16xi32>,
      %shift_right_arithmetic3A = arith.constant 7 : i32
      %shift_right_arithmetic3A_125 = vector.broadcast %shift_right_arithmetic3A : i32 to vector<16xi32>
      %shift_right_arithmetic3A_126 = arith.shrsi %get3A_124, %shift_right_arithmetic3A_125 : vector<16xi32>
      %and3A_127 = arith.constant 127 : i32
      %and3A_128 = vector.broadcast %and3A_127 : i32 to vector<16xi32>
      %and3A_129 = arith.andi %get3A_124, %and3A_128 : vector<16xi32>
      tpu.vector_store_idx %arg8[%shift_right_arithmetic3A_126, %and3A_129], %broadcast_in_dim3A_24 {add = true} : memref<80x128xf32, #tpu.memory_space<vmem>>[vector<16xi32>, vector<16xi32>], vector<16xf32>,
      %get3A_130 = arith.constant 16 : index
      %get3A_131 = tpu.vector_load %arg10[%get3A_130] {strides = array<i32>} : memref<128xi32, #tpu.memory_space<vmem>>, vector<16xi32>,
      %shift_right_arithmetic3A_132 = arith.constant 7 : i32
      %shift_right_arithmetic3A_133 = vector.broadcast %shift_right_arithmetic3A_132 : i32 to vector<16xi32>
      %shift_right_arithmetic3A_134 = arith.shrsi %get3A_131, %shift_right_arithmetic3A_133 : vector<16xi32>
      %and3A_135 = arith.constant 127 : i32
      %and3A_136 = vector.broadcast %and3A_135 : i32 to vector<16xi32>
      %and3A_137 = arith.andi %get3A_131, %and3A_136 : vector<16xi32>
      tpu.vector_store_idx %arg8[%shift_right_arithmetic3A_134, %and3A_137], %broadcast_in_dim3A_24 {add = true} : memref<80x128xf32, #tpu.memory_space<vmem>>[vector<16xi32>, vector<16xi32>], vector<16xf32>,
      %get3A_138 = arith.constant 32 : index
      %get3A_139 = tpu.vector_load %arg10[%get3A_138] {strides = array<i32>} : memref<128xi32, #tpu.memory_space<vmem>>, vector<16xi32>,
      %shift_right_arithmetic3A_140 = arith.constant 7 : i32
      %shift_right_arithmetic3A_141 = vector.broadcast %shift_right_arithmetic3A_140 : i32 to vector<16xi32>
      %shift_right_arithmetic3A_142 = arith.shrsi %get3A_139, %shift_right_arithmetic3A_141 : vector<16xi32>
      %and3A_143 = arith.constant 127 : i32
      %and3A_144 = vector.broadcast %and3A_143 : i32 to vector<16xi32>
      %and3A_145 = arith.andi %get3A_139, %and3A_144 : vector<16xi32>
      tpu.vector_store_idx %arg8[%shift_right_arithmetic3A_142, %and3A_145], %broadcast_in_dim3A_24 {add = true} : memref<80x128xf32, #tpu.memory_space<vmem>>[vector<16xi32>, vector<16xi32>], vector<16xf32>,
      %get3A_146 = arith.constant 48 : index
      %get3A_147 = tpu.vector_load %arg10[%get3A_146] {strides = array<i32>} : memref<128xi32, #tpu.memory_space<vmem>>, vector<16xi32>,
      %shift_right_arithmetic3A_148 = arith.constant 7 : i32
      %shift_right_arithmetic3A_149 = vector.broadcast %shift_right_arithmetic3A_148 : i32 to vector<16xi32>
      %shift_right_arithmetic3A_150 = arith.shrsi %get3A_147, %shift_right_arithmetic3A_149 : vector<16xi32>
      %and3A_151 = arith.constant 127 : i32
      %and3A_152 = vector.broadcast %and3A_151 : i32 to vector<16xi32>
      %and3A_153 = arith.andi %get3A_147, %and3A_152 : vector<16xi32>
      tpu.vector_store_idx %arg8[%shift_right_arithmetic3A_150, %and3A_153], %broadcast_in_dim3A_24 {add = true} : memref<80x128xf32, #tpu.memory_space<vmem>>[vector<16xi32>, vector<16xi32>], vector<16xf32>,
      %get3A_154 = arith.constant 64 : index
      %get3A_155 = tpu.vector_load %arg10[%get3A_154] {strides = array<i32>} : memref<128xi32, #tpu.memory_space<vmem>>, vector<16xi32>,
      %shift_right_arithmetic3A_156 = arith.constant 7 : i32
      %shift_right_arithmetic3A_157 = vector.broadcast %shift_right_arithmetic3A_156 : i32 to vector<16xi32>
      %shift_right_arithmetic3A_158 = arith.shrsi %get3A_155, %shift_right_arithmetic3A_157 : vector<16xi32>
      %and3A_159 = arith.constant 127 : i32
      %and3A_160 = vector.broadcast %and3A_159 : i32 to vector<16xi32>
      %and3A_161 = arith.andi %get3A_155, %and3A_160 : vector<16xi32>
      tpu.vector_store_idx %arg8[%shift_right_arithmetic3A_158, %and3A_161], %broadcast_in_dim3A_24 {add = true} : memref<80x128xf32, #tpu.memory_space<vmem>>[vector<16xi32>, vector<16xi32>], vector<16xf32>,
      %get3A_162 = arith.constant 80 : index
      %get3A_163 = tpu.vector_load %arg10[%get3A_162] {strides = array<i32>} : memref<128xi32, #tpu.memory_space<vmem>>, vector<16xi32>,
      %shift_right_arithmetic3A_164 = arith.constant 7 : i32
      %shift_right_arithmetic3A_165 = vector.broadcast %shift_right_arithmetic3A_164 : i32 to vector<16xi32>
      %shift_right_arithmetic3A_166 = arith.shrsi %get3A_163, %shift_right_arithmetic3A_165 : vector<16xi32>
      %and3A_167 = arith.constant 127 : i32
      %and3A_168 = vector.broadcast %and3A_167 : i32 to vector<16xi32>
      %and3A_169 = arith.andi %get3A_163, %and3A_168 : vector<16xi32>
      tpu.vector_store_idx %arg8[%shift_right_arithmetic3A_166, %and3A_169], %broadcast_in_dim3A_24 {add = true} : memref<80x128xf32, #tpu.memory_space<vmem>>[vector<16xi32>, vector<16xi32>], vector<16xf32>,
      %get3A_170 = arith.constant 96 : index
      %get3A_171 = tpu.vector_load %arg10[%get3A_170] {strides = array<i32>} : memref<128xi32, #tpu.memory_space<vmem>>, vector<16xi32>,
      %shift_right_arithmetic3A_172 = arith.constant 7 : i32
      %shift_right_arithmetic3A_173 = vector.broadcast %shift_right_arithmetic3A_172 : i32 to vector<16xi32>
      %shift_right_arithmetic3A_174 = arith.shrsi %get3A_171, %shift_right_arithmetic3A_173 : vector<16xi32>
      %and3A_175 = arith.constant 127 : i32
      %and3A_176 = vector.broadcast %and3A_175 : i32 to vector<16xi32>
      %and3A_177 = arith.andi %get3A_171, %and3A_176 : vector<16xi32>
      tpu.vector_store_idx %arg8[%shift_right_arithmetic3A_174, %and3A_177], %broadcast_in_dim3A_24 {add = true} : memref<80x128xf32, #tpu.memory_space<vmem>>[vector<16xi32>, vector<16xi32>], vector<16xf32>,
      %get3A_178 = arith.constant 112 : index
      %get3A_179 = tpu.vector_load %arg10[%get3A_178] {strides = array<i32>} : memref<128xi32, #tpu.memory_space<vmem>>, vector<16xi32>,
      %shift_right_arithmetic3A_180 = arith.constant 7 : i32
      %shift_right_arithmetic3A_181 = vector.broadcast %shift_right_arithmetic3A_180 : i32 to vector<16xi32>
      %shift_right_arithmetic3A_182 = arith.shrsi %get3A_179, %shift_right_arithmetic3A_181 : vector<16xi32>
      %and3A_183 = arith.constant 127 : i32
      %and3A_184 = vector.broadcast %and3A_183 : i32 to vector<16xi32>
      %and3A_185 = arith.andi %get3A_179, %and3A_184 : vector<16xi32>
      tpu.vector_store_idx %arg8[%shift_right_arithmetic3A_182, %and3A_185], %broadcast_in_dim3A_24 {add = true} : memref<80x128xf32, #tpu.memory_space<vmem>>[vector<16xi32>, vector<16xi32>], vector<16xf32>,
      %dma_wait3A_186 = arith.constant 0 : i32
      %dma_wait3A_187 = arith.constant 0 : i32
      %dma_wait3A_188 = tpu.memref_slice %arg2[%dma_wait3A_186, %dma_wait3A_187] : memref<10000x128xf32, #tpu.memory_space<hbm>> -> memref<10000x128xf32, #tpu.memory_space<hbm>>
      tpu.wait_indirect_dma semaphore(%arg15 : memref<!tpu.dma_semaphore, #tpu.memory_space<semaphore_mem>>) src(%dma_wait3A_188 : memref<10000x128xf32, #tpu.memory_space<hbm>>) dst(%arg11 : memref<128x128xf32, #tpu.memory_space<vmem>>)
      "tpu.region"() ({
        %run_scoped3A = tpu.sem_alloc : memref<!tpu.dma_semaphore, #tpu.memory_space<semaphore_mem>>
        %dma_start3A_256 = arith.constant 0 : i32
        %dma_start3A_257 = arith.constant 0 : i32
        %dma_start3A_258 = tpu.memref_slice %arg7[%dma_start3A_256, %dma_start3A_257] : memref<10240x128xf32, #tpu.memory_space<vmem_shared>> -> memref<10240x128xf32, #tpu.memory_space<vmem_shared>>
        tpu.enqueue_indirect_dma source(%arg11 : memref<128x128xf32, #tpu.memory_space<vmem>>) target(%dma_start3A_258 : memref<10240x128xf32, #tpu.memory_space<vmem_shared>>) offsets(%arg10 : memref<128xi32, #tpu.memory_space<vmem>>) semaphore(%run_scoped3A : memref<!tpu.dma_semaphore, #tpu.memory_space<semaphore_mem>>) {add = true}
        %dma_wait3A_259 = arith.constant 0 : i32
        %dma_wait3A_260 = arith.constant 0 : i32
        %dma_wait3A_261 = tpu.memref_slice %arg7[%dma_wait3A_259, %dma_wait3A_260] : memref<10240x128xf32, #tpu.memory_space<vmem_shared>> -> memref<10240x128xf32, #tpu.memory_space<vmem_shared>>
        tpu.wait_indirect_dma semaphore(%run_scoped3A : memref<!tpu.dma_semaphore, #tpu.memory_space<semaphore_mem>>) src(%arg11 : memref<128x128xf32, #tpu.memory_space<vmem>>) dst(%dma_wait3A_261 : memref<10240x128xf32, #tpu.memory_space<vmem_shared>>)
        tpu.yield
      }) : () -> ()
      %get3A_189 = arith.constant 0 : index
      %get3A_190 = tpu.vector_load %arg13[%get3A_189] {strides = array<i32>} : memref<128xi32, #tpu.memory_space<vmem>>, vector<16xi32>,
      %shift_right_arithmetic3A_191 = arith.constant 7 : i32
      %shift_right_arithmetic3A_192 = vector.broadcast %shift_right_arithmetic3A_191 : i32 to vector<16xi32>
      %shift_right_arithmetic3A_193 = arith.shrsi %get3A_190, %shift_right_arithmetic3A_192 : vector<16xi32>
      %and3A_194 = arith.constant 127 : i32
      %and3A_195 = vector.broadcast %and3A_194 : i32 to vector<16xi32>
      %and3A_196 = arith.andi %get3A_190, %and3A_195 : vector<16xi32>
      tpu.vector_store_idx %arg8[%shift_right_arithmetic3A_193, %and3A_196], %broadcast_in_dim3A_24 {add = true} : memref<80x128xf32, #tpu.memory_space<vmem>>[vector<16xi32>, vector<16xi32>], vector<16xf32>,
      %get3A_197 = arith.constant 16 : index
      %get3A_198 = tpu.vector_load %arg13[%get3A_197] {strides = array<i32>} : memref<128xi32, #tpu.memory_space<vmem>>, vector<16xi32>,
      %shift_right_arithmetic3A_199 = arith.constant 7 : i32
      %shift_right_arithmetic3A_200 = vector.broadcast %shift_right_arithmetic3A_199 : i32 to vector<16xi32>
      %shift_right_arithmetic3A_201 = arith.shrsi %get3A_198, %shift_right_arithmetic3A_200 : vector<16xi32>
      %and3A_202 = arith.constant 127 : i32
      %and3A_203 = vector.broadcast %and3A_202 : i32 to vector<16xi32>
      %and3A_204 = arith.andi %get3A_198, %and3A_203 : vector<16xi32>
      tpu.vector_store_idx %arg8[%shift_right_arithmetic3A_201, %and3A_204], %broadcast_in_dim3A_24 {add = true} : memref<80x128xf32, #tpu.memory_space<vmem>>[vector<16xi32>, vector<16xi32>], vector<16xf32>,
      %get3A_205 = arith.constant 32 : index
      %get3A_206 = tpu.vector_load %arg13[%get3A_205] {strides = array<i32>} : memref<128xi32, #tpu.memory_space<vmem>>, vector<16xi32>,
      %shift_right_arithmetic3A_207 = arith.constant 7 : i32
      %shift_right_arithmetic3A_208 = vector.broadcast %shift_right_arithmetic3A_207 : i32 to vector<16xi32>
      %shift_right_arithmetic3A_209 = arith.shrsi %get3A_206, %shift_right_arithmetic3A_208 : vector<16xi32>
      %and3A_210 = arith.constant 127 : i32
      %and3A_211 = vector.broadcast %and3A_210 : i32 to vector<16xi32>
      %and3A_212 = arith.andi %get3A_206, %and3A_211 : vector<16xi32>
      tpu.vector_store_idx %arg8[%shift_right_arithmetic3A_209, %and3A_212], %broadcast_in_dim3A_24 {add = true} : memref<80x128xf32, #tpu.memory_space<vmem>>[vector<16xi32>, vector<16xi32>], vector<16xf32>,
      %get3A_213 = arith.constant 48 : index
      %get3A_214 = tpu.vector_load %arg13[%get3A_213] {strides = array<i32>} : memref<128xi32, #tpu.memory_space<vmem>>, vector<16xi32>,
      %shift_right_arithmetic3A_215 = arith.constant 7 : i32
      %shift_right_arithmetic3A_216 = vector.broadcast %shift_right_arithmetic3A_215 : i32 to vector<16xi32>
      %shift_right_arithmetic3A_217 = arith.shrsi %get3A_214, %shift_right_arithmetic3A_216 : vector<16xi32>
      %and3A_218 = arith.constant 127 : i32
      %and3A_219 = vector.broadcast %and3A_218 : i32 to vector<16xi32>
      %and3A_220 = arith.andi %get3A_214, %and3A_219 : vector<16xi32>
      tpu.vector_store_idx %arg8[%shift_right_arithmetic3A_217, %and3A_220], %broadcast_in_dim3A_24 {add = true} : memref<80x128xf32, #tpu.memory_space<vmem>>[vector<16xi32>, vector<16xi32>], vector<16xf32>,
      %get3A_221 = arith.constant 64 : index
      %get3A_222 = tpu.vector_load %arg13[%get3A_221] {strides = array<i32>} : memref<128xi32, #tpu.memory_space<vmem>>, vector<16xi32>,
      %shift_right_arithmetic3A_223 = arith.constant 7 : i32
      %shift_right_arithmetic3A_224 = vector.broadcast %shift_right_arithmetic3A_223 : i32 to vector<16xi32>
      %shift_right_arithmetic3A_225 = arith.shrsi %get3A_222, %shift_right_arithmetic3A_224 : vector<16xi32>
      %and3A_226 = arith.constant 127 : i32
      %and3A_227 = vector.broadcast %and3A_226 : i32 to vector<16xi32>
      %and3A_228 = arith.andi %get3A_222, %and3A_227 : vector<16xi32>
      tpu.vector_store_idx %arg8[%shift_right_arithmetic3A_225, %and3A_228], %broadcast_in_dim3A_24 {add = true} : memref<80x128xf32, #tpu.memory_space<vmem>>[vector<16xi32>, vector<16xi32>], vector<16xf32>,
      %get3A_229 = arith.constant 80 : index
      %get3A_230 = tpu.vector_load %arg13[%get3A_229] {strides = array<i32>} : memref<128xi32, #tpu.memory_space<vmem>>, vector<16xi32>,
      %shift_right_arithmetic3A_231 = arith.constant 7 : i32
      %shift_right_arithmetic3A_232 = vector.broadcast %shift_right_arithmetic3A_231 : i32 to vector<16xi32>
      %shift_right_arithmetic3A_233 = arith.shrsi %get3A_230, %shift_right_arithmetic3A_232 : vector<16xi32>
      %and3A_234 = arith.constant 127 : i32
      %and3A_235 = vector.broadcast %and3A_234 : i32 to vector<16xi32>
      %and3A_236 = arith.andi %get3A_230, %and3A_235 : vector<16xi32>
      tpu.vector_store_idx %arg8[%shift_right_arithmetic3A_233, %and3A_236], %broadcast_in_dim3A_24 {add = true} : memref<80x128xf32, #tpu.memory_space<vmem>>[vector<16xi32>, vector<16xi32>], vector<16xf32>,
      %get3A_237 = arith.constant 96 : index
      %get3A_238 = tpu.vector_load %arg13[%get3A_237] {strides = array<i32>} : memref<128xi32, #tpu.memory_space<vmem>>, vector<16xi32>,
      %shift_right_arithmetic3A_239 = arith.constant 7 : i32
      %shift_right_arithmetic3A_240 = vector.broadcast %shift_right_arithmetic3A_239 : i32 to vector<16xi32>
      %shift_right_arithmetic3A_241 = arith.shrsi %get3A_238, %shift_right_arithmetic3A_240 : vector<16xi32>
      %and3A_242 = arith.constant 127 : i32
      %and3A_243 = vector.broadcast %and3A_242 : i32 to vector<16xi32>
      %and3A_244 = arith.andi %get3A_238, %and3A_243 : vector<16xi32>
      tpu.vector_store_idx %arg8[%shift_right_arithmetic3A_241, %and3A_244], %broadcast_in_dim3A_24 {add = true} : memref<80x128xf32, #tpu.memory_space<vmem>>[vector<16xi32>, vector<16xi32>], vector<16xf32>,
      %get3A_245 = arith.constant 112 : index
      %get3A_246 = tpu.vector_load %arg13[%get3A_245] {strides = array<i32>} : memref<128xi32, #tpu.memory_space<vmem>>, vector<16xi32>,
      %shift_right_arithmetic3A_247 = arith.constant 7 : i32
      %shift_right_arithmetic3A_248 = vector.broadcast %shift_right_arithmetic3A_247 : i32 to vector<16xi32>
      %shift_right_arithmetic3A_249 = arith.shrsi %get3A_246, %shift_right_arithmetic3A_248 : vector<16xi32>
      %and3A_250 = arith.constant 127 : i32
      %and3A_251 = vector.broadcast %and3A_250 : i32 to vector<16xi32>
      %and3A_252 = arith.andi %get3A_246, %and3A_251 : vector<16xi32>
      tpu.vector_store_idx %arg8[%shift_right_arithmetic3A_249, %and3A_252], %broadcast_in_dim3A_24 {add = true} : memref<80x128xf32, #tpu.memory_space<vmem>>[vector<16xi32>, vector<16xi32>], vector<16xf32>,
      %dma_wait3A_253 = arith.constant 0 : i32
      %dma_wait3A_254 = arith.constant 0 : i32
      %dma_wait3A_255 = tpu.memref_slice %arg2[%dma_wait3A_253, %dma_wait3A_254] : memref<10000x128xf32, #tpu.memory_space<hbm>> -> memref<10000x128xf32, #tpu.memory_space<hbm>>
      tpu.wait_indirect_dma semaphore(%arg16 : memref<!tpu.dma_semaphore, #tpu.memory_space<semaphore_mem>>) src(%dma_wait3A_255 : memref<10000x128xf32, #tpu.memory_space<hbm>>) dst(%arg14 : memref<128x128xf32, #tpu.memory_space<vmem>>)
      "tpu.region"() ({
        %run_scoped3A = tpu.sem_alloc : memref<!tpu.dma_semaphore, #tpu.memory_space<semaphore_mem>>
        %dma_start3A_256 = arith.constant 0 : i32
        %dma_start3A_257 = arith.constant 0 : i32
        %dma_start3A_258 = tpu.memref_slice %arg7[%dma_start3A_256, %dma_start3A_257] : memref<10240x128xf32, #tpu.memory_space<vmem_shared>> -> memref<10240x128xf32, #tpu.memory_space<vmem_shared>>
        tpu.enqueue_indirect_dma source(%arg14 : memref<128x128xf32, #tpu.memory_space<vmem>>) target(%dma_start3A_258 : memref<10240x128xf32, #tpu.memory_space<vmem_shared>>) offsets(%arg13 : memref<128xi32, #tpu.memory_space<vmem>>) semaphore(%run_scoped3A : memref<!tpu.dma_semaphore, #tpu.memory_space<semaphore_mem>>) {add = true}
        %dma_wait3A_259 = arith.constant 0 : i32
        %dma_wait3A_260 = arith.constant 0 : i32
        %dma_wait3A_261 = tpu.memref_slice %arg7[%dma_wait3A_259, %dma_wait3A_260] : memref<10240x128xf32, #tpu.memory_space<vmem_shared>> -> memref<10240x128xf32, #tpu.memory_space<vmem_shared>>
        tpu.wait_indirect_dma semaphore(%run_scoped3A : memref<!tpu.dma_semaphore, #tpu.memory_space<semaphore_mem>>) src(%arg14 : memref<128x128xf32, #tpu.memory_space<vmem>>) dst(%dma_wait3A_261 : memref<10240x128xf32, #tpu.memory_space<vmem_shared>>)
        tpu.yield
      }) : () -> ()
    }
    %while3A_55 = arith.constant 1 : i32
    scf.for %while3A_64 = %while3A_53 to %while3A_49 step %while3A_55  : i32 {
      %mul3A_65 = arith.constant 2 : i32
      %mul3A_66 = arith.muli %mul3A_65, %while3A_64 : i32
      %mul3A_67 = arith.constant 32 : i32
      %mul3A_68 = arith.muli %mul3A_67, %mul3A_66 : i32
      %add3A_69 = arith.addi %add3A, %mul3A_68 : i32
      %add3A_70 = arith.constant 32 : i32
      %add3A_71 = arith.addi %add3A_69, %add3A_70 : i32
      %dma_start3A = arith.constant 0 : i32
      %dma_start3A_72 = tpu.memref_slice %arg3[%add3A_69, %dma_start3A] : memref<2500x128xi32, #tpu.memory_space<hbm>> -> memref<1x128xi32, #tpu.memory_space<hbm>>
      %dma_start3A_73 = tpu.memref_squeeze %dma_start3A_72 : memref<1x128xi32, #tpu.memory_space<hbm>> -> memref<128xi32, #tpu.memory_space<hbm>>
      %dma_start3A_74 = arith.constant 0 : i32
      %dma_start3A_75 = tpu.memref_slice %arg3[%add3A_69, %dma_start3A_74] : memref<2500x128xi32, #tpu.memory_space<hbm>> -> memref<1x128xi32, #tpu.memory_space<hbm>>
      %dma_start3A_76 = tpu.memref_squeeze %dma_start3A_75 : memref<1x128xi32, #tpu.memory_space<hbm>> -> memref<128xi32, #tpu.memory_space<hbm>>
      tpu.enqueue_dma source(%dma_start3A_76 : memref<128xi32, #tpu.memory_space<hbm>>) target(%arg9 : memref<128xi32, #tpu.memory_space<vmem>>) target_semaphore(%arg17 : memref<!tpu.dma_semaphore, #tpu.memory_space<semaphore_mem>>)
      %dma_start3A_77 = arith.constant 0 : i32
      %dma_start3A_78 = tpu.memref_slice %arg4[%add3A_69, %dma_start3A_77] : memref<2500x128xi32, #tpu.memory_space<hbm>> -> memref<1x128xi32, #tpu.memory_space<hbm>>
      %dma_start3A_79 = tpu.memref_squeeze %dma_start3A_78 : memref<1x128xi32, #tpu.memory_space<hbm>> -> memref<128xi32, #tpu.memory_space<hbm>>
      %dma_start3A_80 = arith.constant 0 : i32
      %dma_start3A_81 = tpu.memref_slice %arg4[%add3A_69, %dma_start3A_80] : memref<2500x128xi32, #tpu.memory_space<hbm>> -> memref<1x128xi32, #tpu.memory_space<hbm>>
      %dma_start3A_82 = tpu.memref_squeeze %dma_start3A_81 : memref<1x128xi32, #tpu.memory_space<hbm>> -> memref<128xi32, #tpu.memory_space<hbm>>
      tpu.enqueue_dma source(%dma_start3A_82 : memref<128xi32, #tpu.memory_space<hbm>>) target(%arg10 : memref<128xi32, #tpu.memory_space<vmem>>) target_semaphore(%arg17 : memref<!tpu.dma_semaphore, #tpu.memory_space<semaphore_mem>>)
      %dma_start3A_83 = arith.constant 0 : i32
      %dma_start3A_84 = tpu.memref_slice %arg3[%add3A_71, %dma_start3A_83] : memref<2500x128xi32, #tpu.memory_space<hbm>> -> memref<1x128xi32, #tpu.memory_space<hbm>>
      %dma_start3A_85 = tpu.memref_squeeze %dma_start3A_84 : memref<1x128xi32, #tpu.memory_space<hbm>> -> memref<128xi32, #tpu.memory_space<hbm>>
      %dma_start3A_86 = arith.constant 0 : i32
      %dma_start3A_87 = tpu.memref_slice %arg3[%add3A_71, %dma_start3A_86] : memref<2500x128xi32, #tpu.memory_space<hbm>> -> memref<1x128xi32, #tpu.memory_space<hbm>>
      %dma_start3A_88 = tpu.memref_squeeze %dma_start3A_87 : memref<1x128xi32, #tpu.memory_space<hbm>> -> memref<128xi32, #tpu.memory_space<hbm>>
      tpu.enqueue_dma source(%dma_start3A_88 : memref<128xi32, #tpu.memory_space<hbm>>) target(%arg12 : memref<128xi32, #tpu.memory_space<vmem>>) target_semaphore(%arg18 : memref<!tpu.dma_semaphore, #tpu.memory_space<semaphore_mem>>)
      %dma_start3A_89 = arith.constant 0 : i32
      %dma_start3A_90 = tpu.memref_slice %arg4[%add3A_71, %dma_start3A_89] : memref<2500x128xi32, #tpu.memory_space<hbm>> -> memref<1x128xi32, #tpu.memory_space<hbm>>
      %dma_start3A_91 = tpu.memref_squeeze %dma_start3A_90 : memref<1x128xi32, #tpu.memory_space<hbm>> -> memref<128xi32, #tpu.memory_space<hbm>>
      %dma_start3A_92 = arith.constant 0 : i32
      %dma_start3A_93 = tpu.memref_slice %arg4[%add3A_71, %dma_start3A_92] : memref<2500x128xi32, #tpu.memory_space<hbm>> -> memref<1x128xi32, #tpu.memory_space<hbm>>
      %dma_start3A_94 = tpu.memref_squeeze %dma_start3A_93 : memref<1x128xi32, #tpu.memory_space<hbm>> -> memref<128xi32, #tpu.memory_space<hbm>>
      tpu.enqueue_dma source(%dma_start3A_94 : memref<128xi32, #tpu.memory_space<hbm>>) target(%arg13 : memref<128xi32, #tpu.memory_space<vmem>>) target_semaphore(%arg18 : memref<!tpu.dma_semaphore, #tpu.memory_space<semaphore_mem>>)
      %dma_wait3A = arith.constant 0 : i32
      %dma_wait3A_95 = tpu.memref_slice %arg3[%add3A_69, %dma_wait3A] : memref<2500x128xi32, #tpu.memory_space<hbm>> -> memref<1x128xi32, #tpu.memory_space<hbm>>
      %dma_wait3A_96 = tpu.memref_squeeze %dma_wait3A_95 : memref<1x128xi32, #tpu.memory_space<hbm>> -> memref<128xi32, #tpu.memory_space<hbm>>
      %dma_wait3A_97 = arith.constant 0 : i32
      %dma_wait3A_98 = tpu.memref_slice %arg3[%add3A_69, %dma_wait3A_97] : memref<2500x128xi32, #tpu.memory_space<hbm>> -> memref<1x128xi32, #tpu.memory_space<hbm>>
      %dma_wait3A_99 = tpu.memref_squeeze %dma_wait3A_98 : memref<1x128xi32, #tpu.memory_space<hbm>> -> memref<128xi32, #tpu.memory_space<hbm>>
      tpu.wait_dma2 semaphore(%arg17 : memref<!tpu.dma_semaphore, #tpu.memory_space<semaphore_mem>>) src(%dma_wait3A_99 : memref<128xi32, #tpu.memory_space<hbm>>) dst(%arg9 : memref<128xi32, #tpu.memory_space<vmem>>)
      %dma_wait3A_100 = arith.constant 0 : i32
      %dma_wait3A_101 = tpu.memref_slice %arg4[%add3A_69, %dma_wait3A_100] : memref<2500x128xi32, #tpu.memory_space<hbm>> -> memref<1x128xi32, #tpu.memory_space<hbm>>
      %dma_wait3A_102 = tpu.memref_squeeze %dma_wait3A_101 : memref<1x128xi32, #tpu.memory_space<hbm>> -> memref<128xi32, #tpu.memory_space<hbm>>
      %dma_wait3A_103 = arith.constant 0 : i32
      %dma_wait3A_104 = tpu.memref_slice %arg4[%add3A_69, %dma_wait3A_103] : memref<2500x128xi32, #tpu.memory_space<hbm>> -> memref<1x128xi32, #tpu.memory_space<hbm>>
      %dma_wait3A_105 = tpu.memref_squeeze %dma_wait3A_104 : memref<1x128xi32, #tpu.memory_space<hbm>> -> memref<128xi32, #tpu.memory_space<hbm>>
      tpu.wait_dma2 semaphore(%arg17 : memref<!tpu.dma_semaphore, #tpu.memory_space<semaphore_mem>>) src(%dma_wait3A_105 : memref<128xi32, #tpu.memory_space<hbm>>) dst(%arg10 : memref<128xi32, #tpu.memory_space<vmem>>)
      %dma_start3A_106 = arith.constant 0 : i32
      %dma_start3A_107 = arith.constant 0 : i32
      %dma_start3A_108 = tpu.memref_slice %arg2[%dma_start3A_106, %dma_start3A_107] : memref<10000x128xf32, #tpu.memory_space<hbm>> -> memref<10000x128xf32, #tpu.memory_space<hbm>>
      tpu.enqueue_indirect_dma source(%dma_start3A_108 : memref<10000x128xf32, #tpu.memory_space<hbm>>) target(%arg11 : memref<128x128xf32, #tpu.memory_space<vmem>>) offsets(%arg9 : memref<128xi32, #tpu.memory_space<vmem>>) semaphore(%arg15 : memref<!tpu.dma_semaphore, #tpu.memory_space<semaphore_mem>>)
      %dma_wait3A_109 = arith.constant 0 : i32
      %dma_wait3A_110 = tpu.memref_slice %arg3[%add3A_71, %dma_wait3A_109] : memref<2500x128xi32, #tpu.memory_space<hbm>> -> memref<1x128xi32, #tpu.memory_space<hbm>>
      %dma_wait3A_111 = tpu.memref_squeeze %dma_wait3A_110 : memref<1x128xi32, #tpu.memory_space<hbm>> -> memref<128xi32, #tpu.memory_space<hbm>>
      %dma_wait3A_112 = arith.constant 0 : i32
      %dma_wait3A_113 = tpu.memref_slice %arg3[%add3A_71, %dma_wait3A_112] : memref<2500x128xi32, #tpu.memory_space<hbm>> -> memref<1x128xi32, #tpu.memory_space<hbm>>
      %dma_wait3A_114 = tpu.memref_squeeze %dma_wait3A_113 : memref<1x128xi32, #tpu.memory_space<hbm>> -> memref<128xi32, #tpu.memory_space<hbm>>
      tpu.wait_dma2 semaphore(%arg18 : memref<!tpu.dma_semaphore, #tpu.memory_space<semaphore_mem>>) src(%dma_wait3A_114 : memref<128xi32, #tpu.memory_space<hbm>>) dst(%arg12 : memref<128xi32, #tpu.memory_space<vmem>>)
      %dma_wait3A_115 = arith.constant 0 : i32
      %dma_wait3A_116 = tpu.memref_slice %arg4[%add3A_71, %dma_wait3A_115] : memref<2500x128xi32, #tpu.memory_space<hbm>> -> memref<1x128xi32, #tpu.memory_space<hbm>>
      %dma_wait3A_117 = tpu.memref_squeeze %dma_wait3A_116 : memref<1x128xi32, #tpu.memory_space<hbm>> -> memref<128xi32, #tpu.memory_space<hbm>>
      %dma_wait3A_118 = arith.constant 0 : i32
      %dma_wait3A_119 = tpu.memref_slice %arg4[%add3A_71, %dma_wait3A_118] : memref<2500x128xi32, #tpu.memory_space<hbm>> -> memref<1x128xi32, #tpu.memory_space<hbm>>
      %dma_wait3A_120 = tpu.memref_squeeze %dma_wait3A_119 : memref<1x128xi32, #tpu.memory_space<hbm>> -> memref<128xi32, #tpu.memory_space<hbm>>
      tpu.wait_dma2 semaphore(%arg18 : memref<!tpu.dma_semaphore, #tpu.memory_space<semaphore_mem>>) src(%dma_wait3A_120 : memref<128xi32, #tpu.memory_space<hbm>>) dst(%arg13 : memref<128xi32, #tpu.memory_space<vmem>>)
      %dma_start3A_121 = arith.constant 0 : i32
      %dma_start3A_122 = arith.constant 0 : i32
      %dma_start3A_123 = tpu.memref_slice %arg2[%dma_start3A_121, %dma_start3A_122] : memref<10000x128xf32, #tpu.memory_space<hbm>> -> memref<10000x128xf32, #tpu.memory_space<hbm>>
      tpu.enqueue_indirect_dma source(%dma_start3A_123 : memref<10000x128xf32, #tpu.memory_space<hbm>>) target(%arg14 : memref<128x128xf32, #tpu.memory_space<vmem>>) offsets(%arg12 : memref<128xi32, #tpu.memory_space<vmem>>) semaphore(%arg16 : memref<!tpu.dma_semaphore, #tpu.memory_space<semaphore_mem>>)
      %get3A = arith.constant 0 : index
      %get3A_124 = tpu.vector_load %arg10[%get3A] {strides = array<i32>} : memref<128xi32, #tpu.memory_space<vmem>>, vector<16xi32>,
      %shift_right_arithmetic3A = arith.constant 7 : i32
      %shift_right_arithmetic3A_125 = vector.broadcast %shift_right_arithmetic3A : i32 to vector<16xi32>
      %shift_right_arithmetic3A_126 = arith.shrsi %get3A_124, %shift_right_arithmetic3A_125 : vector<16xi32>
      %and3A_127 = arith.constant 127 : i32
      %and3A_128 = vector.broadcast %and3A_127 : i32 to vector<16xi32>
      %and3A_129 = arith.andi %get3A_124, %and3A_128 : vector<16xi32>
      tpu.vector_store_idx %arg8[%shift_right_arithmetic3A_126, %and3A_129], %broadcast_in_dim3A_24 {add = true} : memref<80x128xf32, #tpu.memory_space<vmem>>[vector<16xi32>, vector<16xi32>], vector<16xf32>,
      %get3A_130 = arith.constant 16 : index
      %get3A_131 = tpu.vector_load %arg10[%get3A_130] {strides = array<i32>} : memref<128xi32, #tpu.memory_space<vmem>>, vector<16xi32>,
      %shift_right_arithmetic3A_132 = arith.constant 7 : i32
      %shift_right_arithmetic3A_133 = vector.broadcast %shift_right_arithmetic3A_132 : i32 to vector<16xi32>
      %shift_right_arithmetic3A_134 = arith.shrsi %get3A_131, %shift_right_arithmetic3A_133 : vector<16xi32>
      %and3A_135 = arith.constant 127 : i32
      %and3A_136 = vector.broadcast %and3A_135 : i32 to vector<16xi32>
      %and3A_137 = arith.andi %get3A_131, %and3A_136 : vector<16xi32>
      tpu.vector_store_idx %arg8[%shift_right_arithmetic3A_134, %and3A_137], %broadcast_in_dim3A_24 {add = true} : memref<80x128xf32, #tpu.memory_space<vmem>>[vector<16xi32>, vector<16xi32>], vector<16xf32>,
      %get3A_138 = arith.constant 32 : index
      %get3A_139 = tpu.vector_load %arg10[%get3A_138] {strides = array<i32>} : memref<128xi32, #tpu.memory_space<vmem>>, vector<16xi32>,
      %shift_right_arithmetic3A_140 = arith.constant 7 : i32
      %shift_right_arithmetic3A_141 = vector.broadcast %shift_right_arithmetic3A_140 : i32 to vector<16xi32>
      %shift_right_arithmetic3A_142 = arith.shrsi %get3A_139, %shift_right_arithmetic3A_141 : vector<16xi32>
      %and3A_143 = arith.constant 127 : i32
      %and3A_144 = vector.broadcast %and3A_143 : i32 to vector<16xi32>
      %and3A_145 = arith.andi %get3A_139, %and3A_144 : vector<16xi32>
      tpu.vector_store_idx %arg8[%shift_right_arithmetic3A_142, %and3A_145], %broadcast_in_dim3A_24 {add = true} : memref<80x128xf32, #tpu.memory_space<vmem>>[vector<16xi32>, vector<16xi32>], vector<16xf32>,
      %get3A_146 = arith.constant 48 : index
      %get3A_147 = tpu.vector_load %arg10[%get3A_146] {strides = array<i32>} : memref<128xi32, #tpu.memory_space<vmem>>, vector<16xi32>,
      %shift_right_arithmetic3A_148 = arith.constant 7 : i32
      %shift_right_arithmetic3A_149 = vector.broadcast %shift_right_arithmetic3A_148 : i32 to vector<16xi32>
      %shift_right_arithmetic3A_150 = arith.shrsi %get3A_147, %shift_right_arithmetic3A_149 : vector<16xi32>
      %and3A_151 = arith.constant 127 : i32
      %and3A_152 = vector.broadcast %and3A_151 : i32 to vector<16xi32>
      %and3A_153 = arith.andi %get3A_147, %and3A_152 : vector<16xi32>
      tpu.vector_store_idx %arg8[%shift_right_arithmetic3A_150, %and3A_153], %broadcast_in_dim3A_24 {add = true} : memref<80x128xf32, #tpu.memory_space<vmem>>[vector<16xi32>, vector<16xi32>], vector<16xf32>,
      %get3A_154 = arith.constant 64 : index
      %get3A_155 = tpu.vector_load %arg10[%get3A_154] {strides = array<i32>} : memref<128xi32, #tpu.memory_space<vmem>>, vector<16xi32>,
      %shift_right_arithmetic3A_156 = arith.constant 7 : i32
      %shift_right_arithmetic3A_157 = vector.broadcast %shift_right_arithmetic3A_156 : i32 to vector<16xi32>
      %shift_right_arithmetic3A_158 = arith.shrsi %get3A_155, %shift_right_arithmetic3A_157 : vector<16xi32>
      %and3A_159 = arith.constant 127 : i32
      %and3A_160 = vector.broadcast %and3A_159 : i32 to vector<16xi32>
      %and3A_161 = arith.andi %get3A_155, %and3A_160 : vector<16xi32>
      tpu.vector_store_idx %arg8[%shift_right_arithmetic3A_158, %and3A_161], %broadcast_in_dim3A_24 {add = true} : memref<80x128xf32, #tpu.memory_space<vmem>>[vector<16xi32>, vector<16xi32>], vector<16xf32>,
      %get3A_162 = arith.constant 80 : index
      %get3A_163 = tpu.vector_load %arg10[%get3A_162] {strides = array<i32>} : memref<128xi32, #tpu.memory_space<vmem>>, vector<16xi32>,
      %shift_right_arithmetic3A_164 = arith.constant 7 : i32
      %shift_right_arithmetic3A_165 = vector.broadcast %shift_right_arithmetic3A_164 : i32 to vector<16xi32>
      %shift_right_arithmetic3A_166 = arith.shrsi %get3A_163, %shift_right_arithmetic3A_165 : vector<16xi32>
      %and3A_167 = arith.constant 127 : i32
      %and3A_168 = vector.broadcast %and3A_167 : i32 to vector<16xi32>
      %and3A_169 = arith.andi %get3A_163, %and3A_168 : vector<16xi32>
      tpu.vector_store_idx %arg8[%shift_right_arithmetic3A_166, %and3A_169], %broadcast_in_dim3A_24 {add = true} : memref<80x128xf32, #tpu.memory_space<vmem>>[vector<16xi32>, vector<16xi32>], vector<16xf32>,
      %get3A_170 = arith.constant 96 : index
      %get3A_171 = tpu.vector_load %arg10[%get3A_170] {strides = array<i32>} : memref<128xi32, #tpu.memory_space<vmem>>, vector<16xi32>,
      %shift_right_arithmetic3A_172 = arith.constant 7 : i32
      %shift_right_arithmetic3A_173 = vector.broadcast %shift_right_arithmetic3A_172 : i32 to vector<16xi32>
      %shift_right_arithmetic3A_174 = arith.shrsi %get3A_171, %shift_right_arithmetic3A_173 : vector<16xi32>
      %and3A_175 = arith.constant 127 : i32
      %and3A_176 = vector.broadcast %and3A_175 : i32 to vector<16xi32>
      %and3A_177 = arith.andi %get3A_171, %and3A_176 : vector<16xi32>
      tpu.vector_store_idx %arg8[%shift_right_arithmetic3A_174, %and3A_177], %broadcast_in_dim3A_24 {add = true} : memref<80x128xf32, #tpu.memory_space<vmem>>[vector<16xi32>, vector<16xi32>], vector<16xf32>,
      %get3A_178 = arith.constant 112 : index
      %get3A_179 = tpu.vector_load %arg10[%get3A_178] {strides = array<i32>} : memref<128xi32, #tpu.memory_space<vmem>>, vector<16xi32>,
      %shift_right_arithmetic3A_180 = arith.constant 7 : i32
      %shift_right_arithmetic3A_181 = vector.broadcast %shift_right_arithmetic3A_180 : i32 to vector<16xi32>
      %shift_right_arithmetic3A_182 = arith.shrsi %get3A_179, %shift_right_arithmetic3A_181 : vector<16xi32>
      %and3A_183 = arith.constant 127 : i32
      %and3A_184 = vector.broadcast %and3A_183 : i32 to vector<16xi32>
      %and3A_185 = arith.andi %get3A_179, %and3A_184 : vector<16xi32>
      tpu.vector_store_idx %arg8[%shift_right_arithmetic3A_182, %and3A_185], %broadcast_in_dim3A_24 {add = true} : memref<80x128xf32, #tpu.memory_space<vmem>>[vector<16xi32>, vector<16xi32>], vector<16xf32>,
      %dma_wait3A_186 = arith.constant 0 : i32
      %dma_wait3A_187 = arith.constant 0 : i32
      %dma_wait3A_188 = tpu.memref_slice %arg2[%dma_wait3A_186, %dma_wait3A_187] : memref<10000x128xf32, #tpu.memory_space<hbm>> -> memref<10000x128xf32, #tpu.memory_space<hbm>>
      tpu.wait_indirect_dma semaphore(%arg15 : memref<!tpu.dma_semaphore, #tpu.memory_space<semaphore_mem>>) src(%dma_wait3A_188 : memref<10000x128xf32, #tpu.memory_space<hbm>>) dst(%arg11 : memref<128x128xf32, #tpu.memory_space<vmem>>)
      "tpu.region"() ({
        %run_scoped3A = tpu.sem_alloc : memref<!tpu.dma_semaphore, #tpu.memory_space<semaphore_mem>>
        %dma_start3A_256 = arith.constant 0 : i32
        %dma_start3A_257 = arith.constant 0 : i32
        %dma_start3A_258 = tpu.memref_slice %arg7[%dma_start3A_256, %dma_start3A_257] : memref<10240x128xf32, #tpu.memory_space<vmem_shared>> -> memref<10240x128xf32, #tpu.memory_space<vmem_shared>>
        tpu.enqueue_indirect_dma source(%arg11 : memref<128x128xf32, #tpu.memory_space<vmem>>) target(%dma_start3A_258 : memref<10240x128xf32, #tpu.memory_space<vmem_shared>>) offsets(%arg10 : memref<128xi32, #tpu.memory_space<vmem>>) semaphore(%run_scoped3A : memref<!tpu.dma_semaphore, #tpu.memory_space<semaphore_mem>>) {add = true}
        %dma_wait3A_259 = arith.constant 0 : i32
        %dma_wait3A_260 = arith.constant 0 : i32
        %dma_wait3A_261 = tpu.memref_slice %arg7[%dma_wait3A_259, %dma_wait3A_260] : memref<10240x128xf32, #tpu.memory_space<vmem_shared>> -> memref<10240x128xf32, #tpu.memory_space<vmem_shared>>
        tpu.wait_indirect_dma semaphore(%run_scoped3A : memref<!tpu.dma_semaphore, #tpu.memory_space<semaphore_mem>>) src(%arg11 : memref<128x128xf32, #tpu.memory_space<vmem>>) dst(%dma_wait3A_261 : memref<10240x128xf32, #tpu.memory_space<vmem_shared>>)
        tpu.yield
      }) : () -> ()
      %get3A_189 = arith.constant 0 : index
      %get3A_190 = tpu.vector_load %arg13[%get3A_189] {strides = array<i32>} : memref<128xi32, #tpu.memory_space<vmem>>, vector<16xi32>,
      %shift_right_arithmetic3A_191 = arith.constant 7 : i32
      %shift_right_arithmetic3A_192 = vector.broadcast %shift_right_arithmetic3A_191 : i32 to vector<16xi32>
      %shift_right_arithmetic3A_193 = arith.shrsi %get3A_190, %shift_right_arithmetic3A_192 : vector<16xi32>
      %and3A_194 = arith.constant 127 : i32
      %and3A_195 = vector.broadcast %and3A_194 : i32 to vector<16xi32>
      %and3A_196 = arith.andi %get3A_190, %and3A_195 : vector<16xi32>
      tpu.vector_store_idx %arg8[%shift_right_arithmetic3A_193, %and3A_196], %broadcast_in_dim3A_24 {add = true} : memref<80x128xf32, #tpu.memory_space<vmem>>[vector<16xi32>, vector<16xi32>], vector<16xf32>,
      %get3A_197 = arith.constant 16 : index
      %get3A_198 = tpu.vector_load %arg13[%get3A_197] {strides = array<i32>} : memref<128xi32, #tpu.memory_space<vmem>>, vector<16xi32>,
      %shift_right_arithmetic3A_199 = arith.constant 7 : i32
      %shift_right_arithmetic3A_200 = vector.broadcast %shift_right_arithmetic3A_199 : i32 to vector<16xi32>
      %shift_right_arithmetic3A_201 = arith.shrsi %get3A_198, %shift_right_arithmetic3A_200 : vector<16xi32>
      %and3A_202 = arith.constant 127 : i32
      %and3A_203 = vector.broadcast %and3A_202 : i32 to vector<16xi32>
      %and3A_204 = arith.andi %get3A_198, %and3A_203 : vector<16xi32>
      tpu.vector_store_idx %arg8[%shift_right_arithmetic3A_201, %and3A_204], %broadcast_in_dim3A_24 {add = true} : memref<80x128xf32, #tpu.memory_space<vmem>>[vector<16xi32>, vector<16xi32>], vector<16xf32>,
      %get3A_205 = arith.constant 32 : index
      %get3A_206 = tpu.vector_load %arg13[%get3A_205] {strides = array<i32>} : memref<128xi32, #tpu.memory_space<vmem>>, vector<16xi32>,
      %shift_right_arithmetic3A_207 = arith.constant 7 : i32
      %shift_right_arithmetic3A_208 = vector.broadcast %shift_right_arithmetic3A_207 : i32 to vector<16xi32>
      %shift_right_arithmetic3A_209 = arith.shrsi %get3A_206, %shift_right_arithmetic3A_208 : vector<16xi32>
      %and3A_210 = arith.constant 127 : i32
      %and3A_211 = vector.broadcast %and3A_210 : i32 to vector<16xi32>
      %and3A_212 = arith.andi %get3A_206, %and3A_211 : vector<16xi32>
      tpu.vector_store_idx %arg8[%shift_right_arithmetic3A_209, %and3A_212], %broadcast_in_dim3A_24 {add = true} : memref<80x128xf32, #tpu.memory_space<vmem>>[vector<16xi32>, vector<16xi32>], vector<16xf32>,
      %get3A_213 = arith.constant 48 : index
      %get3A_214 = tpu.vector_load %arg13[%get3A_213] {strides = array<i32>} : memref<128xi32, #tpu.memory_space<vmem>>, vector<16xi32>,
      %shift_right_arithmetic3A_215 = arith.constant 7 : i32
      %shift_right_arithmetic3A_216 = vector.broadcast %shift_right_arithmetic3A_215 : i32 to vector<16xi32>
      %shift_right_arithmetic3A_217 = arith.shrsi %get3A_214, %shift_right_arithmetic3A_216 : vector<16xi32>
      %and3A_218 = arith.constant 127 : i32
      %and3A_219 = vector.broadcast %and3A_218 : i32 to vector<16xi32>
      %and3A_220 = arith.andi %get3A_214, %and3A_219 : vector<16xi32>
      tpu.vector_store_idx %arg8[%shift_right_arithmetic3A_217, %and3A_220], %broadcast_in_dim3A_24 {add = true} : memref<80x128xf32, #tpu.memory_space<vmem>>[vector<16xi32>, vector<16xi32>], vector<16xf32>,
      %get3A_221 = arith.constant 64 : index
      %get3A_222 = tpu.vector_load %arg13[%get3A_221] {strides = array<i32>} : memref<128xi32, #tpu.memory_space<vmem>>, vector<16xi32>,
      %shift_right_arithmetic3A_223 = arith.constant 7 : i32
      %shift_right_arithmetic3A_224 = vector.broadcast %shift_right_arithmetic3A_223 : i32 to vector<16xi32>
      %shift_right_arithmetic3A_225 = arith.shrsi %get3A_222, %shift_right_arithmetic3A_224 : vector<16xi32>
      %and3A_226 = arith.constant 127 : i32
      %and3A_227 = vector.broadcast %and3A_226 : i32 to vector<16xi32>
      %and3A_228 = arith.andi %get3A_222, %and3A_227 : vector<16xi32>
      tpu.vector_store_idx %arg8[%shift_right_arithmetic3A_225, %and3A_228], %broadcast_in_dim3A_24 {add = true} : memref<80x128xf32, #tpu.memory_space<vmem>>[vector<16xi32>, vector<16xi32>], vector<16xf32>,
      %get3A_229 = arith.constant 80 : index
      %get3A_230 = tpu.vector_load %arg13[%get3A_229] {strides = array<i32>} : memref<128xi32, #tpu.memory_space<vmem>>, vector<16xi32>,
      %shift_right_arithmetic3A_231 = arith.constant 7 : i32
      %shift_right_arithmetic3A_232 = vector.broadcast %shift_right_arithmetic3A_231 : i32 to vector<16xi32>
      %shift_right_arithmetic3A_233 = arith.shrsi %get3A_230, %shift_right_arithmetic3A_232 : vector<16xi32>
      %and3A_234 = arith.constant 127 : i32
      %and3A_235 = vector.broadcast %and3A_234 : i32 to vector<16xi32>
      %and3A_236 = arith.andi %get3A_230, %and3A_235 : vector<16xi32>
      tpu.vector_store_idx %arg8[%shift_right_arithmetic3A_233, %and3A_236], %broadcast_in_dim3A_24 {add = true} : memref<80x128xf32, #tpu.memory_space<vmem>>[vector<16xi32>, vector<16xi32>], vector<16xf32>,
      %get3A_237 = arith.constant 96 : index
      %get3A_238 = tpu.vector_load %arg13[%get3A_237] {strides = array<i32>} : memref<128xi32, #tpu.memory_space<vmem>>, vector<16xi32>,
      %shift_right_arithmetic3A_239 = arith.constant 7 : i32
      %shift_right_arithmetic3A_240 = vector.broadcast %shift_right_arithmetic3A_239 : i32 to vector<16xi32>
      %shift_right_arithmetic3A_241 = arith.shrsi %get3A_238, %shift_right_arithmetic3A_240 : vector<16xi32>
      %and3A_242 = arith.constant 127 : i32
      %and3A_243 = vector.broadcast %and3A_242 : i32 to vector<16xi32>
      %and3A_244 = arith.andi %get3A_238, %and3A_243 : vector<16xi32>
      tpu.vector_store_idx %arg8[%shift_right_arithmetic3A_241, %and3A_244], %broadcast_in_dim3A_24 {add = true} : memref<80x128xf32, #tpu.memory_space<vmem>>[vector<16xi32>, vector<16xi32>], vector<16xf32>,
      %get3A_245 = arith.constant 112 : index
      %get3A_246 = tpu.vector_load %arg13[%get3A_245] {strides = array<i32>} : memref<128xi32, #tpu.memory_space<vmem>>, vector<16xi32>,
      %shift_right_arithmetic3A_247 = arith.constant 7 : i32
      %shift_right_arithmetic3A_248 = vector.broadcast %shift_right_arithmetic3A_247 : i32 to vector<16xi32>
      %shift_right_arithmetic3A_249 = arith.shrsi %get3A_246, %shift_right_arithmetic3A_248 : vector<16xi32>
      %and3A_250 = arith.constant 127 : i32
      %and3A_251 = vector.broadcast %and3A_250 : i32 to vector<16xi32>
      %and3A_252 = arith.andi %get3A_246, %and3A_251 : vector<16xi32>
      tpu.vector_store_idx %arg8[%shift_right_arithmetic3A_249, %and3A_252], %broadcast_in_dim3A_24 {add = true} : memref<80x128xf32, #tpu.memory_space<vmem>>[vector<16xi32>, vector<16xi32>], vector<16xf32>,
      %dma_wait3A_253 = arith.constant 0 : i32
      %dma_wait3A_254 = arith.constant 0 : i32
      %dma_wait3A_255 = tpu.memref_slice %arg2[%dma_wait3A_253, %dma_wait3A_254] : memref<10000x128xf32, #tpu.memory_space<hbm>> -> memref<10000x128xf32, #tpu.memory_space<hbm>>
      tpu.wait_indirect_dma semaphore(%arg16 : memref<!tpu.dma_semaphore, #tpu.memory_space<semaphore_mem>>) src(%dma_wait3A_255 : memref<10000x128xf32, #tpu.memory_space<hbm>>) dst(%arg14 : memref<128x128xf32, #tpu.memory_space<vmem>>)
      "tpu.region"() ({
        %run_scoped3A = tpu.sem_alloc : memref<!tpu.dma_semaphore, #tpu.memory_space<semaphore_mem>>
        %dma_start3A_256 = arith.constant 0 : i32
        %dma_start3A_257 = arith.constant 0 : i32
        %dma_start3A_258 = tpu.memref_slice %arg7[%dma_start3A_256, %dma_start3A_257] : memref<10240x128xf32, #tpu.memory_space<vmem_shared>> -> memref<10240x128xf32, #tpu.memory_space<vmem_shared>>
        tpu.enqueue_indirect_dma source(%arg14 : memref<128x128xf32, #tpu.memory_space<vmem>>) target(%dma_start3A_258 : memref<10240x128xf32, #tpu.memory_space<vmem_shared>>) offsets(%arg13 : memref<128xi32, #tpu.memory_space<vmem>>) semaphore(%run_scoped3A : memref<!tpu.dma_semaphore, #tpu.memory_space<semaphore_mem>>) {add = true}
        %dma_wait3A_259 = arith.constant 0 : i32
        %dma_wait3A_260 = arith.constant 0 : i32
        %dma_wait3A_261 = tpu.memref_slice %arg7[%dma_wait3A_259, %dma_wait3A_260] : memref<10240x128xf32, #tpu.memory_space<vmem_shared>> -> memref<10240x128xf32, #tpu.memory_space<vmem_shared>>
        tpu.wait_indirect_dma semaphore(%run_scoped3A : memref<!tpu.dma_semaphore, #tpu.memory_space<semaphore_mem>>) src(%arg14 : memref<128x128xf32, #tpu.memory_space<vmem>>) dst(%dma_wait3A_261 : memref<10240x128xf32, #tpu.memory_space<vmem_shared>>)
        tpu.yield
      }) : () -> ()
    }
    %mul3A_56 = arith.constant 2 : i32
    %mul3A_57 = arith.muli %select_n3A_46, %mul3A_56 : i32
    %lt3A_58 = arith.cmpi slt, %mul3A_57, %add3A_28 : i32
    %convert_element_type3A = arith.extui %lt3A_58 : i1 to i32
    %cond3A = arith.constant 0 : i32
    %cond3A_59 = arith.cmpi ne, %convert_element_type3A, %cond3A : i32
    scf.if %cond3A_59 {
      %mul3A_64 = arith.constant 2 : i32
      %mul3A_65 = arith.muli %select_n3A_46, %mul3A_64 : i32
      %mul3A_66 = arith.constant 32 : i32
      %mul3A_67 = arith.muli %mul3A_66, %mul3A_65 : i32
      %add3A_68 = arith.addi %add3A, %mul3A_67 : i32
      "tpu.region"() ({
        %run_scoped3A = tpu.sem_alloc : memref<!tpu.dma_semaphore, #tpu.memory_space<semaphore_mem>>
        %dma_start3A_135 = arith.constant 0 : i32
        %dma_start3A_136 = tpu.memref_slice %arg3[%add3A_68, %dma_start3A_135] : memref<2500x128xi32, #tpu.memory_space<hbm>> -> memref<1x128xi32, #tpu.memory_space<hbm>>
        %dma_start3A_137 = tpu.memref_squeeze %dma_start3A_136 : memref<1x128xi32, #tpu.memory_space<hbm>> -> memref<128xi32, #tpu.memory_space<hbm>>
        %dma_start3A_138 = arith.constant 0 : i32
        %dma_start3A_139 = tpu.memref_slice %arg3[%add3A_68, %dma_start3A_138] : memref<2500x128xi32, #tpu.memory_space<hbm>> -> memref<1x128xi32, #tpu.memory_space<hbm>>
        %dma_start3A_140 = tpu.memref_squeeze %dma_start3A_139 : memref<1x128xi32, #tpu.memory_space<hbm>> -> memref<128xi32, #tpu.memory_space<hbm>>
        tpu.enqueue_dma source(%dma_start3A_140 : memref<128xi32, #tpu.memory_space<hbm>>) target(%arg9 : memref<128xi32, #tpu.memory_space<vmem>>) target_semaphore(%run_scoped3A : memref<!tpu.dma_semaphore, #tpu.memory_space<semaphore_mem>>)
        %dma_wait3A_141 = arith.constant 0 : i32
        %dma_wait3A_142 = tpu.memref_slice %arg3[%add3A_68, %dma_wait3A_141] : memref<2500x128xi32, #tpu.memory_space<hbm>> -> memref<1x128xi32, #tpu.memory_space<hbm>>
        %dma_wait3A_143 = tpu.memref_squeeze %dma_wait3A_142 : memref<1x128xi32, #tpu.memory_space<hbm>> -> memref<128xi32, #tpu.memory_space<hbm>>
        %dma_wait3A_144 = arith.constant 0 : i32
        %dma_wait3A_145 = tpu.memref_slice %arg3[%add3A_68, %dma_wait3A_144] : memref<2500x128xi32, #tpu.memory_space<hbm>> -> memref<1x128xi32, #tpu.memory_space<hbm>>
        %dma_wait3A_146 = tpu.memref_squeeze %dma_wait3A_145 : memref<1x128xi32, #tpu.memory_space<hbm>> -> memref<128xi32, #tpu.memory_space<hbm>>
        tpu.wait_dma2 semaphore(%run_scoped3A : memref<!tpu.dma_semaphore, #tpu.memory_space<semaphore_mem>>) src(%dma_wait3A_146 : memref<128xi32, #tpu.memory_space<hbm>>) dst(%arg9 : memref<128xi32, #tpu.memory_space<vmem>>)
        tpu.yield
      }) : () -> ()
      "tpu.region"() ({
        %run_scoped3A = tpu.sem_alloc : memref<!tpu.dma_semaphore, #tpu.memory_space<semaphore_mem>>
        %dma_start3A_135 = arith.constant 0 : i32
        %dma_start3A_136 = tpu.memref_slice %arg4[%add3A_68, %dma_start3A_135] : memref<2500x128xi32, #tpu.memory_space<hbm>> -> memref<1x128xi32, #tpu.memory_space<hbm>>
        %dma_start3A_137 = tpu.memref_squeeze %dma_start3A_136 : memref<1x128xi32, #tpu.memory_space<hbm>> -> memref<128xi32, #tpu.memory_space<hbm>>
        %dma_start3A_138 = arith.constant 0 : i32
        %dma_start3A_139 = tpu.memref_slice %arg4[%add3A_68, %dma_start3A_138] : memref<2500x128xi32, #tpu.memory_space<hbm>> -> memref<1x128xi32, #tpu.memory_space<hbm>>
        %dma_start3A_140 = tpu.memref_squeeze %dma_start3A_139 : memref<1x128xi32, #tpu.memory_space<hbm>> -> memref<128xi32, #tpu.memory_space<hbm>>
        tpu.enqueue_dma source(%dma_start3A_140 : memref<128xi32, #tpu.memory_space<hbm>>) target(%arg10 : memref<128xi32, #tpu.memory_space<vmem>>) target_semaphore(%run_scoped3A : memref<!tpu.dma_semaphore, #tpu.memory_space<semaphore_mem>>)
        %dma_wait3A_141 = arith.constant 0 : i32
        %dma_wait3A_142 = tpu.memref_slice %arg4[%add3A_68, %dma_wait3A_141] : memref<2500x128xi32, #tpu.memory_space<hbm>> -> memref<1x128xi32, #tpu.memory_space<hbm>>
        %dma_wait3A_143 = tpu.memref_squeeze %dma_wait3A_142 : memref<1x128xi32, #tpu.memory_space<hbm>> -> memref<128xi32, #tpu.memory_space<hbm>>
        %dma_wait3A_144 = arith.constant 0 : i32
        %dma_wait3A_145 = tpu.memref_slice %arg4[%add3A_68, %dma_wait3A_144] : memref<2500x128xi32, #tpu.memory_space<hbm>> -> memref<1x128xi32, #tpu.memory_space<hbm>>
        %dma_wait3A_146 = tpu.memref_squeeze %dma_wait3A_145 : memref<1x128xi32, #tpu.memory_space<hbm>> -> memref<128xi32, #tpu.memory_space<hbm>>
        tpu.wait_dma2 semaphore(%run_scoped3A : memref<!tpu.dma_semaphore, #tpu.memory_space<semaphore_mem>>) src(%dma_wait3A_146 : memref<128xi32, #tpu.memory_space<hbm>>) dst(%arg10 : memref<128xi32, #tpu.memory_space<vmem>>)
        tpu.yield
      }) : () -> ()
      %dma_start3A = arith.constant 0 : i32
      %dma_start3A_69 = arith.constant 0 : i32
      %dma_start3A_70 = tpu.memref_slice %arg2[%dma_start3A, %dma_start3A_69] : memref<10000x128xf32, #tpu.memory_space<hbm>> -> memref<10000x128xf32, #tpu.memory_space<hbm>>
      tpu.enqueue_indirect_dma source(%dma_start3A_70 : memref<10000x128xf32, #tpu.memory_space<hbm>>) target(%arg11 : memref<128x128xf32, #tpu.memory_space<vmem>>) offsets(%arg9 : memref<128xi32, #tpu.memory_space<vmem>>) semaphore(%arg15 : memref<!tpu.dma_semaphore, #tpu.memory_space<semaphore_mem>>)
      %get3A = arith.constant 0 : index
      %get3A_71 = tpu.vector_load %arg10[%get3A] {strides = array<i32>} : memref<128xi32, #tpu.memory_space<vmem>>, vector<16xi32>,
      %shift_right_arithmetic3A = arith.constant 7 : i32
      %shift_right_arithmetic3A_72 = vector.broadcast %shift_right_arithmetic3A : i32 to vector<16xi32>
      %shift_right_arithmetic3A_73 = arith.shrsi %get3A_71, %shift_right_arithmetic3A_72 : vector<16xi32>
      %and3A_74 = arith.constant 127 : i32
      %and3A_75 = vector.broadcast %and3A_74 : i32 to vector<16xi32>
      %and3A_76 = arith.andi %get3A_71, %and3A_75 : vector<16xi32>
      tpu.vector_store_idx %arg8[%shift_right_arithmetic3A_73, %and3A_76], %broadcast_in_dim3A_24 {add = true} : memref<80x128xf32, #tpu.memory_space<vmem>>[vector<16xi32>, vector<16xi32>], vector<16xf32>,
      %get3A_77 = arith.constant 16 : index
      %get3A_78 = tpu.vector_load %arg10[%get3A_77] {strides = array<i32>} : memref<128xi32, #tpu.memory_space<vmem>>, vector<16xi32>,
      %shift_right_arithmetic3A_79 = arith.constant 7 : i32
      %shift_right_arithmetic3A_80 = vector.broadcast %shift_right_arithmetic3A_79 : i32 to vector<16xi32>
      %shift_right_arithmetic3A_81 = arith.shrsi %get3A_78, %shift_right_arithmetic3A_80 : vector<16xi32>
      %and3A_82 = arith.constant 127 : i32
      %and3A_83 = vector.broadcast %and3A_82 : i32 to vector<16xi32>
      %and3A_84 = arith.andi %get3A_78, %and3A_83 : vector<16xi32>
      tpu.vector_store_idx %arg8[%shift_right_arithmetic3A_81, %and3A_84], %broadcast_in_dim3A_24 {add = true} : memref<80x128xf32, #tpu.memory_space<vmem>>[vector<16xi32>, vector<16xi32>], vector<16xf32>,
      %get3A_85 = arith.constant 32 : index
      %get3A_86 = tpu.vector_load %arg10[%get3A_85] {strides = array<i32>} : memref<128xi32, #tpu.memory_space<vmem>>, vector<16xi32>,
      %shift_right_arithmetic3A_87 = arith.constant 7 : i32
      %shift_right_arithmetic3A_88 = vector.broadcast %shift_right_arithmetic3A_87 : i32 to vector<16xi32>
      %shift_right_arithmetic3A_89 = arith.shrsi %get3A_86, %shift_right_arithmetic3A_88 : vector<16xi32>
      %and3A_90 = arith.constant 127 : i32
      %and3A_91 = vector.broadcast %and3A_90 : i32 to vector<16xi32>
      %and3A_92 = arith.andi %get3A_86, %and3A_91 : vector<16xi32>
      tpu.vector_store_idx %arg8[%shift_right_arithmetic3A_89, %and3A_92], %broadcast_in_dim3A_24 {add = true} : memref<80x128xf32, #tpu.memory_space<vmem>>[vector<16xi32>, vector<16xi32>], vector<16xf32>,
      %get3A_93 = arith.constant 48 : index
      %get3A_94 = tpu.vector_load %arg10[%get3A_93] {strides = array<i32>} : memref<128xi32, #tpu.memory_space<vmem>>, vector<16xi32>,
      %shift_right_arithmetic3A_95 = arith.constant 7 : i32
      %shift_right_arithmetic3A_96 = vector.broadcast %shift_right_arithmetic3A_95 : i32 to vector<16xi32>
      %shift_right_arithmetic3A_97 = arith.shrsi %get3A_94, %shift_right_arithmetic3A_96 : vector<16xi32>
      %and3A_98 = arith.constant 127 : i32
      %and3A_99 = vector.broadcast %and3A_98 : i32 to vector<16xi32>
      %and3A_100 = arith.andi %get3A_94, %and3A_99 : vector<16xi32>
      tpu.vector_store_idx %arg8[%shift_right_arithmetic3A_97, %and3A_100], %broadcast_in_dim3A_24 {add = true} : memref<80x128xf32, #tpu.memory_space<vmem>>[vector<16xi32>, vector<16xi32>], vector<16xf32>,
      %get3A_101 = arith.constant 64 : index
      %get3A_102 = tpu.vector_load %arg10[%get3A_101] {strides = array<i32>} : memref<128xi32, #tpu.memory_space<vmem>>, vector<16xi32>,
      %shift_right_arithmetic3A_103 = arith.constant 7 : i32
      %shift_right_arithmetic3A_104 = vector.broadcast %shift_right_arithmetic3A_103 : i32 to vector<16xi32>
      %shift_right_arithmetic3A_105 = arith.shrsi %get3A_102, %shift_right_arithmetic3A_104 : vector<16xi32>
      %and3A_106 = arith.constant 127 : i32
      %and3A_107 = vector.broadcast %and3A_106 : i32 to vector<16xi32>
      %and3A_108 = arith.andi %get3A_102, %and3A_107 : vector<16xi32>
      tpu.vector_store_idx %arg8[%shift_right_arithmetic3A_105, %and3A_108], %broadcast_in_dim3A_24 {add = true} : memref<80x128xf32, #tpu.memory_space<vmem>>[vector<16xi32>, vector<16xi32>], vector<16xf32>,
      %get3A_109 = arith.constant 80 : index
      %get3A_110 = tpu.vector_load %arg10[%get3A_109] {strides = array<i32>} : memref<128xi32, #tpu.memory_space<vmem>>, vector<16xi32>,
      %shift_right_arithmetic3A_111 = arith.constant 7 : i32
      %shift_right_arithmetic3A_112 = vector.broadcast %shift_right_arithmetic3A_111 : i32 to vector<16xi32>
      %shift_right_arithmetic3A_113 = arith.shrsi %get3A_110, %shift_right_arithmetic3A_112 : vector<16xi32>
      %and3A_114 = arith.constant 127 : i32
      %and3A_115 = vector.broadcast %and3A_114 : i32 to vector<16xi32>
      %and3A_116 = arith.andi %get3A_110, %and3A_115 : vector<16xi32>
      tpu.vector_store_idx %arg8[%shift_right_arithmetic3A_113, %and3A_116], %broadcast_in_dim3A_24 {add = true} : memref<80x128xf32, #tpu.memory_space<vmem>>[vector<16xi32>, vector<16xi32>], vector<16xf32>,
      %get3A_117 = arith.constant 96 : index
      %get3A_118 = tpu.vector_load %arg10[%get3A_117] {strides = array<i32>} : memref<128xi32, #tpu.memory_space<vmem>>, vector<16xi32>,
      %shift_right_arithmetic3A_119 = arith.constant 7 : i32
      %shift_right_arithmetic3A_120 = vector.broadcast %shift_right_arithmetic3A_119 : i32 to vector<16xi32>
      %shift_right_arithmetic3A_121 = arith.shrsi %get3A_118, %shift_right_arithmetic3A_120 : vector<16xi32>
      %and3A_122 = arith.constant 127 : i32
      %and3A_123 = vector.broadcast %and3A_122 : i32 to vector<16xi32>
      %and3A_124 = arith.andi %get3A_118, %and3A_123 : vector<16xi32>
      tpu.vector_store_idx %arg8[%shift_right_arithmetic3A_121, %and3A_124], %broadcast_in_dim3A_24 {add = true} : memref<80x128xf32, #tpu.memory_space<vmem>>[vector<16xi32>, vector<16xi32>], vector<16xf32>,
      %get3A_125 = arith.constant 112 : index
      %get3A_126 = tpu.vector_load %arg10[%get3A_125] {strides = array<i32>} : memref<128xi32, #tpu.memory_space<vmem>>, vector<16xi32>,
      %shift_right_arithmetic3A_127 = arith.constant 7 : i32
      %shift_right_arithmetic3A_128 = vector.broadcast %shift_right_arithmetic3A_127 : i32 to vector<16xi32>
      %shift_right_arithmetic3A_129 = arith.shrsi %get3A_126, %shift_right_arithmetic3A_128 : vector<16xi32>
      %and3A_130 = arith.constant 127 : i32
      %and3A_131 = vector.broadcast %and3A_130 : i32 to vector<16xi32>
      %and3A_132 = arith.andi %get3A_126, %and3A_131 : vector<16xi32>
      tpu.vector_store_idx %arg8[%shift_right_arithmetic3A_129, %and3A_132], %broadcast_in_dim3A_24 {add = true} : memref<80x128xf32, #tpu.memory_space<vmem>>[vector<16xi32>, vector<16xi32>], vector<16xf32>,
      %dma_wait3A = arith.constant 0 : i32
      %dma_wait3A_133 = arith.constant 0 : i32
      %dma_wait3A_134 = tpu.memref_slice %arg2[%dma_wait3A, %dma_wait3A_133] : memref<10000x128xf32, #tpu.memory_space<hbm>> -> memref<10000x128xf32, #tpu.memory_space<hbm>>
      tpu.wait_indirect_dma semaphore(%arg15 : memref<!tpu.dma_semaphore, #tpu.memory_space<semaphore_mem>>) src(%dma_wait3A_134 : memref<10000x128xf32, #tpu.memory_space<hbm>>) dst(%arg11 : memref<128x128xf32, #tpu.memory_space<vmem>>)
      "tpu.region"() ({
        %run_scoped3A = tpu.sem_alloc : memref<!tpu.dma_semaphore, #tpu.memory_space<semaphore_mem>>
        %dma_start3A_135 = arith.constant 0 : i32
        %dma_start3A_136 = arith.constant 0 : i32
        %dma_start3A_137 = tpu.memref_slice %arg7[%dma_start3A_135, %dma_start3A_136] : memref<10240x128xf32, #tpu.memory_space<vmem_shared>> -> memref<10240x128xf32, #tpu.memory_space<vmem_shared>>
        tpu.enqueue_indirect_dma source(%arg11 : memref<128x128xf32, #tpu.memory_space<vmem>>) target(%dma_start3A_137 : memref<10240x128xf32, #tpu.memory_space<vmem_shared>>) offsets(%arg10 : memref<128xi32, #tpu.memory_space<vmem>>) semaphore(%run_scoped3A : memref<!tpu.dma_semaphore, #tpu.memory_space<semaphore_mem>>) {add = true}
        %dma_wait3A_138 = arith.constant 0 : i32
        %dma_wait3A_139 = arith.constant 0 : i32
        %dma_wait3A_140 = tpu.memref_slice %arg7[%dma_wait3A_138, %dma_wait3A_139] : memref<10240x128xf32, #tpu.memory_space<vmem_shared>> -> memref<10240x128xf32, #tpu.memory_space<vmem_shared>>
        tpu.wait_indirect_dma semaphore(%run_scoped3A : memref<!tpu.dma_semaphore, #tpu.memory_space<semaphore_mem>>) src(%arg11 : memref<128x128xf32, #tpu.memory_space<vmem>>) dst(%dma_wait3A_140 : memref<10240x128xf32, #tpu.memory_space<vmem_shared>>)
        tpu.yield
      }) : () -> ()
    } else {
    }
    %barrier3A_60 = arith.constant 0 : index
    tpu.barrier barrier_id(%barrier3A_60)
    %mul3A_61 = arith.constant 10240 : i32
    %mul3A_62 = arith.muli %arg0, %mul3A_61 : i32
    %add3A_63 = arith.addi %mul3A_62, %mul3A_13 : i32
    "tpu.region"() ({
      %run_scoped3A = tpu.sem_alloc : memref<!tpu.dma_semaphore, #tpu.memory_space<semaphore_mem>>
      %dma_start3A = arith.constant 0 : i32
      %dma_start3A_64 = tpu.memref_slice %arg5[%add3A_63, %dma_start3A] : memref<20480x128xf32, #tpu.memory_space<hbm>> -> memref<640x128xf32, #tpu.memory_space<hbm>>
      %dma_start3A_65 = arith.constant 0 : i32
      %dma_start3A_66 = tpu.memref_slice %arg7[%mul3A_13, %dma_start3A_65] : memref<10240x128xf32, #tpu.memory_space<vmem_shared>> -> memref<640x128xf32, #tpu.memory_space<vmem_shared>>
      tpu.enqueue_dma source(%dma_start3A_66 : memref<640x128xf32, #tpu.memory_space<vmem_shared>>) target(%dma_start3A_64 : memref<640x128xf32, #tpu.memory_space<hbm>>) target_semaphore(%run_scoped3A : memref<!tpu.dma_semaphore, #tpu.memory_space<semaphore_mem>>)
      %dma_wait3A = arith.constant 0 : i32
      %dma_wait3A_67 = tpu.memref_slice %arg5[%add3A_63, %dma_wait3A] : memref<20480x128xf32, #tpu.memory_space<hbm>> -> memref<640x128xf32, #tpu.memory_space<hbm>>
      %dma_wait3A_68 = arith.constant 0 : i32
      %dma_wait3A_69 = tpu.memref_slice %arg7[%mul3A_13, %dma_wait3A_68] : memref<10240x128xf32, #tpu.memory_space<vmem_shared>> -> memref<640x128xf32, #tpu.memory_space<vmem_shared>>
      tpu.wait_dma2 semaphore(%run_scoped3A : memref<!tpu.dma_semaphore, #tpu.memory_space<semaphore_mem>>) src(%dma_wait3A_69 : memref<640x128xf32, #tpu.memory_space<vmem_shared>>) dst(%dma_wait3A_67 : memref<640x128xf32, #tpu.memory_space<hbm>>)
      tpu.yield
    }) : () -> ()
    "tpu.region"() ({
      %run_scoped3A = tpu.sem_alloc : memref<!tpu.dma_semaphore, #tpu.memory_space<semaphore_mem>>
      %dma_start3A = arith.constant 0 : i32
      %dma_start3A_64 = arith.constant 0 : i32
      %dma_start3A_65 = tpu.memref_slice %arg6[%add3A, %dma_start3A, %dma_start3A_64] : memref<32x80x128xf32, #tpu.memory_space<hbm>> -> memref<1x80x128xf32, #tpu.memory_space<hbm>>
      %dma_start3A_66 = tpu.memref_squeeze %dma_start3A_65 : memref<1x80x128xf32, #tpu.memory_space<hbm>> -> memref<80x128xf32, #tpu.memory_space<hbm>>
      %dma_start3A_67 = arith.constant 0 : i32
      %dma_start3A_68 = arith.constant 0 : i32
      %dma_start3A_69 = tpu.memref_slice %arg6[%add3A, %dma_start3A_67, %dma_start3A_68] : memref<32x80x128xf32, #tpu.memory_space<hbm>> -> memref<1x80x128xf32, #tpu.memory_space<hbm>>
      %dma_start3A_70 = tpu.memref_squeeze %dma_start3A_69 : memref<1x80x128xf32, #tpu.memory_space<hbm>> -> memref<80x128xf32, #tpu.memory_space<hbm>>
      tpu.enqueue_dma source(%arg8 : memref<80x128xf32, #tpu.memory_space<vmem>>) target(%dma_start3A_70 : memref<80x128xf32, #tpu.memory_space<hbm>>) target_semaphore(%run_scoped3A : memref<!tpu.dma_semaphore, #tpu.memory_space<semaphore_mem>>)
      %dma_wait3A = arith.constant 0 : i32
      %dma_wait3A_71 = arith.constant 0 : i32
      %dma_wait3A_72 = tpu.memref_slice %arg6[%add3A, %dma_wait3A, %dma_wait3A_71] : memref<32x80x128xf32, #tpu.memory_space<hbm>> -> memref<1x80x128xf32, #tpu.memory_space<hbm>>
      %dma_wait3A_73 = tpu.memref_squeeze %dma_wait3A_72 : memref<1x80x128xf32, #tpu.memory_space<hbm>> -> memref<80x128xf32, #tpu.memory_space<hbm>>
      %dma_wait3A_74 = arith.constant 0 : i32
      %dma_wait3A_75 = arith.constant 0 : i32
      %dma_wait3A_76 = tpu.memref_slice %arg6[%add3A, %dma_wait3A_74, %dma_wait3A_75] : memref<32x80x128xf32, #tpu.memory_space<hbm>> -> memref<1x80x128xf32, #tpu.memory_space<hbm>>
      %dma_wait3A_77 = tpu.memref_squeeze %dma_wait3A_76 : memref<1x80x128xf32, #tpu.memory_space<hbm>> -> memref<80x128xf32, #tpu.memory_space<hbm>>
      tpu.wait_dma2 semaphore(%run_scoped3A : memref<!tpu.dma_semaphore, #tpu.memory_space<semaphore_mem>>) src(%arg8 : memref<80x128xf32, #tpu.memory_space<vmem>>) dst(%dma_wait3A_77 : memref<80x128xf32, #tpu.memory_space<hbm>>)
      tpu.yield
    }) : () -> ()
    return
  }
}

module attributes {stable_mosaic.version = 14 : i64} {
  func.func @body(%arg0: i32, %arg1: memref<2x1024x128xf32, #tpu.memory_space<vmem>>, %arg2: memref<32x1024xf32, #tpu.memory_space<vmem>>, %arg3: memref<1024x128xf32, #tpu.memory_space<vmem>>, %arg4: memref<1x1024x1xi32, #tpu.memory_space<vmem>>, %arg5: memref<128x128xf32, #tpu.memory_space<vmem>>, %arg6: memref<1x128xf32, #tpu.memory_space<vmem>>, %arg7: memref<128x128xf32, #tpu.memory_space<vmem>>, %arg8: memref<128x512xf32, #tpu.memory_space<vmem>>, %arg9: memref<1x512xf32, #tpu.memory_space<vmem>>, %arg10: memref<512x128xf32, #tpu.memory_space<vmem>>, %arg11: memref<1x128xf32, #tpu.memory_space<vmem>>, %arg12: memref<64x128xf32, #tpu.memory_space<vmem>>) attributes {dimension_semantics = [#tpu.dimension_semantics<arbitrary>], iteration_bounds = array<i64: 10>, scalar_prefetch = 0 : i64, scratch_operands = 0 : i64, tpu.core_type = #tpu.core_type<tc>, window_params = [{transform_indices = @transform_0, window_bounds = array<i64: 2, 1024, 128>}, {transform_indices = @transform_1, window_bounds = array<i64: 32, 1024>}, {transform_indices = @transform_2, window_bounds = array<i64: 1024, 128>}, {transform_indices = @transform_3, window_bounds = array<i64: 1, 1024, 1>}, {pipeline_mode = #tpu.pipeline_mode<synchronous>, transform_indices = @transform_4, window_bounds = array<i64: 128, 128>}, {pipeline_mode = #tpu.pipeline_mode<synchronous>, transform_indices = @transform_5, window_bounds = array<i64: 1, 128>}, {pipeline_mode = #tpu.pipeline_mode<synchronous>, transform_indices = @transform_6, window_bounds = array<i64: 128, 128>}, {pipeline_mode = #tpu.pipeline_mode<synchronous>, transform_indices = @transform_7, window_bounds = array<i64: 128, 512>}, {pipeline_mode = #tpu.pipeline_mode<synchronous>, transform_indices = @transform_8, window_bounds = array<i64: 1, 512>}, {pipeline_mode = #tpu.pipeline_mode<synchronous>, transform_indices = @transform_9, window_bounds = array<i64: 512, 128>}, {pipeline_mode = #tpu.pipeline_mode<synchronous>, transform_indices = @transform_10, window_bounds = array<i64: 1, 128>}, {pipeline_mode = #tpu.pipeline_mode<synchronous>, transform_indices = @transform_11, window_bounds = array<i64: 64, 128>}]} {
    %get3A = arith.constant 0 : index
    %get3A_0 = arith.constant 0 : index
    %get3A_1 = arith.constant 0 : index
    %get3A_2 = vector.load %arg1[%get3A, %get3A_0, %get3A_1] : memref<2x1024x128xf32, #tpu.memory_space<vmem>>, vector<1x1024x128xf32>
    %get3A_3 = vector.shape_cast %get3A_2 : vector<1x1024x128xf32> to vector<1024x128xf32>
    %get3A_4 = arith.constant 1 : index
    %get3A_5 = arith.constant 0 : index
    %get3A_6 = arith.constant 0 : index
    %get3A_7 = vector.load %arg1[%get3A_4, %get3A_5, %get3A_6] : memref<2x1024x128xf32, #tpu.memory_space<vmem>>, vector<1x1024x128xf32>
    %get3A_8 = vector.shape_cast %get3A_7 : vector<1x1024x128xf32> to vector<1024x128xf32>
    %add3A = arith.addf %get3A_3, %get3A_8 : vector<1024x128xf32>
    %get3A_9 = arith.constant 0 : index
    %get3A_10 = arith.constant 0 : index
    %get3A_11 = vector.load %arg2[%get3A_9, %get3A_10] : memref<32x1024xf32, #tpu.memory_space<vmem>>, vector<32x1024xf32>
    %reduce_sum3A = arith.constant dense<0.000000e+00> : vector<1024xf32>
    %reduce_sum3A_12 = vector.multi_reduction <add>, %get3A_11, %reduce_sum3A [0] : vector<32x1024xf32> to vector<1024xf32>
    %broadcast_in_dim3A = vector.shape_cast %reduce_sum3A_12 : vector<1024xf32> to vector<1024x1xf32>
    %broadcast_in_dim3A_13 = vector.broadcast %broadcast_in_dim3A : vector<1024x1xf32> to vector<1024x128xf32>
    %max3A = arith.constant 1.000000e+00 : f32
    %max3A_14 = vector.broadcast %max3A : f32 to vector<1024x128xf32>
    %max3A_15 = arith.maximumf %broadcast_in_dim3A_13, %max3A_14 : vector<1024x128xf32>
    %div3A = arith.divf %add3A, %max3A_15 : vector<1024x128xf32>
    %get3A_16 = arith.constant 0 : index
    %get3A_17 = arith.constant 0 : index
    %get3A_18 = vector.load %arg5[%get3A_16, %get3A_17] : memref<128x128xf32, #tpu.memory_space<vmem>>, vector<128x128xf32>
    %dot_general3A = arith.constant dense<0.000000e+00> : vector<1024x128xf32>
    %dot_general3A_19 = tpu.matmul %div3A, %get3A_18, %dot_general3A {dimension_numbers = #tpu.dot_dimension_numbers<[1], [0], [0], [1], [0, 0, 1, 1], [], []>, transpose_lhs_hint = false} : vector<1024x128xf32>, vector<128x128xf32>, vector<1024x128xf32> -> vector<1024x128xf32>
    %get3A_20 = arith.constant 0 : index
    %get3A_21 = arith.constant 0 : index
    %get3A_22 = vector.load %arg6[%get3A_20, %get3A_21] : memref<1x128xf32, #tpu.memory_space<vmem>>, vector<1x128xf32>
    %add3A_23 = vector.broadcast %get3A_22 : vector<1x128xf32> to vector<1024x128xf32>
    %add3A_24 = arith.addf %dot_general3A_19, %add3A_23 : vector<1024x128xf32>
    %get3A_25 = arith.constant 0 : index
    %get3A_26 = arith.constant 0 : index
    %get3A_27 = vector.load %arg3[%get3A_25, %get3A_26] : memref<1024x128xf32, #tpu.memory_space<vmem>>, vector<1024x128xf32>
    %get3A_28 = arith.constant 0 : index
    %get3A_29 = arith.constant 0 : index
    %get3A_30 = vector.load %arg7[%get3A_28, %get3A_29] : memref<128x128xf32, #tpu.memory_space<vmem>>, vector<128x128xf32>
    %dot_general3A_31 = arith.constant dense<0.000000e+00> : vector<1024x128xf32>
    %dot_general3A_32 = tpu.matmul %get3A_27, %get3A_30, %dot_general3A_31 {dimension_numbers = #tpu.dot_dimension_numbers<[1], [0], [0], [1], [0, 0, 1, 1], [], []>, transpose_lhs_hint = false} : vector<1024x128xf32>, vector<128x128xf32>, vector<1024x128xf32> -> vector<1024x128xf32>
    %add3A_33 = arith.addf %add3A_24, %dot_general3A_32 : vector<1024x128xf32>
    %max3A_34 = arith.constant 0.000000e+00 : f32
    %max3A_35 = vector.broadcast %max3A_34 : f32 to vector<1024x128xf32>
    %max3A_36 = arith.maximumf %add3A_33, %max3A_35 : vector<1024x128xf32>
    %get3A_37 = arith.constant 0 : index
    %get3A_38 = arith.constant 0 : index
    %get3A_39 = vector.load %arg8[%get3A_37, %get3A_38] : memref<128x512xf32, #tpu.memory_space<vmem>>, vector<128x512xf32>
    %dot_general3A_40 = arith.constant dense<0.000000e+00> : vector<1024x512xf32>
    %dot_general3A_41 = tpu.matmul %max3A_36, %get3A_39, %dot_general3A_40 {dimension_numbers = #tpu.dot_dimension_numbers<[1], [0], [0], [1], [0, 0, 1, 1], [], []>, transpose_lhs_hint = false} : vector<1024x128xf32>, vector<128x512xf32>, vector<1024x512xf32> -> vector<1024x512xf32>
    %get3A_42 = arith.constant 0 : index
    %get3A_43 = arith.constant 0 : index
    %get3A_44 = vector.load %arg9[%get3A_42, %get3A_43] : memref<1x512xf32, #tpu.memory_space<vmem>>, vector<1x512xf32>
    %add3A_45 = vector.broadcast %get3A_44 : vector<1x512xf32> to vector<1024x512xf32>
    %add3A_46 = arith.addf %dot_general3A_41, %add3A_45 : vector<1024x512xf32>
    %max3A_47 = arith.constant 0.000000e+00 : f32
    %max3A_48 = vector.broadcast %max3A_47 : f32 to vector<1024x512xf32>
    %max3A_49 = arith.maximumf %add3A_46, %max3A_48 : vector<1024x512xf32>
    %get3A_50 = arith.constant 0 : index
    %get3A_51 = arith.constant 0 : index
    %get3A_52 = vector.load %arg10[%get3A_50, %get3A_51] : memref<512x128xf32, #tpu.memory_space<vmem>>, vector<512x128xf32>
    %dot_general3A_53 = arith.constant dense<0.000000e+00> : vector<1024x128xf32>
    %dot_general3A_54 = tpu.matmul %max3A_49, %get3A_52, %dot_general3A_53 {dimension_numbers = #tpu.dot_dimension_numbers<[1], [0], [0], [1], [0, 0, 1, 1], [], []>, transpose_lhs_hint = false} : vector<1024x512xf32>, vector<512x128xf32>, vector<1024x128xf32> -> vector<1024x128xf32>
    %get3A_55 = arith.constant 0 : index
    %get3A_56 = arith.constant 0 : index
    %get3A_57 = vector.load %arg11[%get3A_55, %get3A_56] : memref<1x128xf32, #tpu.memory_space<vmem>>, vector<1x128xf32>
    %add3A_58 = vector.broadcast %get3A_57 : vector<1x128xf32> to vector<1024x128xf32>
    %add3A_59 = arith.addf %dot_general3A_54, %add3A_58 : vector<1024x128xf32>
    %neg3A = arith.constant 0.000000e+00 : f32
    %neg3A_60 = vector.broadcast %neg3A : f32 to vector<1024x128xf32>
    %neg3A_61 = arith.subf %neg3A_60, %add3A_59 : vector<1024x128xf32>
    %exp3A = math.exp %neg3A_61 : vector<1024x128xf32>
    %add3A_62 = arith.constant 1.000000e+00 : f32
    %add3A_63 = vector.broadcast %add3A_62 : f32 to vector<1024x128xf32>
    %add3A_64 = arith.addf %add3A_63, %exp3A : vector<1024x128xf32>
    %div3A_65 = arith.constant 1.000000e+00 : f32
    %div3A_66 = vector.broadcast %div3A_65 : f32 to vector<1024x128xf32>
    %div3A_67 = arith.divf %div3A_66, %add3A_64 : vector<1024x128xf32>
    %get3A_68 = arith.constant 0 : index
    %get3A_69 = arith.constant 0 : index
    %get3A_70 = arith.constant 0 : index
    %get3A_71 = vector.load %arg4[%get3A_68, %get3A_69, %get3A_70] : memref<1x1024x1xi32, #tpu.memory_space<vmem>>, vector<1x1024x1xi32>
    %get3A_72 = vector.shape_cast %get3A_71 : vector<1x1024x1xi32> to vector<1024x1xi32>
    %eq3A = arith.constant 0 : i32
    %eq3A_73 = arith.cmpi eq, %arg0, %eq3A : i32
    %convert_element_type3A = arith.extui %eq3A_73 : i1 to i32
    %cond3A = arith.constant 0 : i32
    %cond3A_74 = arith.cmpi ne, %convert_element_type3A, %cond3A : i32
    scf.if %cond3A_74 {
      %broadcast_in_dim3A_79 = arith.constant 0xFF800000 : f32
      %broadcast_in_dim3A_80 = vector.broadcast %broadcast_in_dim3A_79 : f32 to vector<64x128xf32>
      %swap3A = arith.constant 0 : index
      %swap3A_81 = arith.constant 0 : index
      %swap3A_82 = vector.load %arg12[%swap3A, %swap3A_81] : memref<64x128xf32, #tpu.memory_space<vmem>>, vector<64x128xf32>
      tpu.vector_store %arg12[%swap3A, %swap3A_81], %broadcast_in_dim3A_80 {strides = array<i32>} : memref<64x128xf32, #tpu.memory_space<vmem>>, vector<64x128xf32>,
    } else {
    }
    %scan3A = arith.constant 0 : i32
    %scan3A_75 = arith.constant 64 : i32
    %scan3A_76 = arith.addi %scan3A, %scan3A_75 : i32
    %scan3A_77 = arith.constant 1 : i32
    scf.for %scan3A_79 = %scan3A to %scan3A_76 step %scan3A_77  : i32 {
      %eq3A_80 = vector.broadcast %scan3A_79 : i32 to vector<1024x1xi32>
      %eq3A_81 = arith.cmpi eq, %get3A_72, %eq3A_80 : vector<1024x1xi32>
      %jit3A = arith.constant 0xFF800000 : f32
      %broadcast_in_dim3A_82 = vector.shape_cast %eq3A_81 : vector<1024x1xi1> to vector<1024x1xi1>
      %broadcast_in_dim3A_83 = vector.broadcast %broadcast_in_dim3A_82 : vector<1024x1xi1> to vector<1024x128xi1>
      %broadcast_in_dim3A_84 = vector.broadcast %jit3A : f32 to vector<1024x128xf32>
      %select_n3A = arith.select %broadcast_in_dim3A_83, %div3A_67, %broadcast_in_dim3A_84 : vector<1024x128xi1>, vector<1024x128xf32>
      %reduce_max3A = arith.constant dense<0xFF800000> : vector<128xf32>
      %reduce_max3A_85 = vector.multi_reduction <maximumf>, %select_n3A, %reduce_max3A [0] : vector<1024x128xf32> to vector<128xf32>
      %broadcast_in_dim3A_86 = vector.shape_cast %reduce_max3A_85 : vector<128xf32> to vector<1x128xf32>
      %get3A_87 = arith.index_cast %scan3A_79 : i32 to index
      %get3A_88 = arith.constant 0 : index
      %get3A_89 = vector.load %arg12[%get3A_87, %get3A_88] : memref<64x128xf32, #tpu.memory_space<vmem>>, vector<1x128xf32>
      %max3A_90 = arith.maximumf %get3A_89, %broadcast_in_dim3A_86 : vector<1x128xf32>
      %swap3A = arith.index_cast %scan3A_79 : i32 to index
      %swap3A_91 = arith.constant 0 : index
      %swap3A_92 = vector.load %arg12[%swap3A, %swap3A_91] : memref<64x128xf32, #tpu.memory_space<vmem>>, vector<1x128xf32>
      tpu.vector_store %arg12[%swap3A, %swap3A_91], %max3A_90 {strides = array<i32>} : memref<64x128xf32, #tpu.memory_space<vmem>>, vector<1x128xf32>,
    }
    %scan3A_78 = arith.constant 64 : i32
    return
  }
  func.func @transform_0(%arg0: i32) -> (i32, i32, i32) {
    %c0_i32 = arith.constant 0 : i32
    %c0_i32_0 = arith.constant 0 : i32
    %c0_i32_1 = arith.constant 0 : i32
    return %c0_i32, %arg0, %c0_i32_0 : i32, i32, i32
  }
  func.func @transform_1(%arg0: i32) -> (i32, i32) {
    %c0_i32 = arith.constant 0 : i32
    %c0_i32_0 = arith.constant 0 : i32
    return %c0_i32, %arg0 : i32, i32
  }
  func.func @transform_2(%arg0: i32) -> (i32, i32) {
    %c0_i32 = arith.constant 0 : i32
    %c0_i32_0 = arith.constant 0 : i32
    return %arg0, %c0_i32 : i32, i32
  }
  func.func @transform_3(%arg0: i32) -> (i32, i32, i32) {
    %c0_i32 = arith.constant 0 : i32
    %c0_i32_0 = arith.constant 0 : i32
    %c0_i32_1 = arith.constant 0 : i32
    return %arg0, %c0_i32, %c0_i32_0 : i32, i32, i32
  }
  func.func @transform_4(%arg0: i32) -> (i32, i32) {
    %c0_i32 = arith.constant 0 : i32
    %c0_i32_0 = arith.constant 0 : i32
    %c0_i32_1 = arith.constant 0 : i32
    return %c0_i32, %c0_i32_0 : i32, i32
  }
  func.func @transform_5(%arg0: i32) -> (i32, i32) {
    %c0_i32 = arith.constant 0 : i32
    %c0_i32_0 = arith.constant 0 : i32
    %c0_i32_1 = arith.constant 0 : i32
    return %c0_i32, %c0_i32_0 : i32, i32
  }
  func.func @transform_6(%arg0: i32) -> (i32, i32) {
    %c0_i32 = arith.constant 0 : i32
    %c0_i32_0 = arith.constant 0 : i32
    %c0_i32_1 = arith.constant 0 : i32
    return %c0_i32, %c0_i32_0 : i32, i32
  }
  func.func @transform_7(%arg0: i32) -> (i32, i32) {
    %c0_i32 = arith.constant 0 : i32
    %c0_i32_0 = arith.constant 0 : i32
    %c0_i32_1 = arith.constant 0 : i32
    return %c0_i32, %c0_i32_0 : i32, i32
  }
  func.func @transform_8(%arg0: i32) -> (i32, i32) {
    %c0_i32 = arith.constant 0 : i32
    %c0_i32_0 = arith.constant 0 : i32
    %c0_i32_1 = arith.constant 0 : i32
    return %c0_i32, %c0_i32_0 : i32, i32
  }
  func.func @transform_9(%arg0: i32) -> (i32, i32) {
    %c0_i32 = arith.constant 0 : i32
    %c0_i32_0 = arith.constant 0 : i32
    %c0_i32_1 = arith.constant 0 : i32
    return %c0_i32, %c0_i32_0 : i32, i32
  }
  func.func @transform_10(%arg0: i32) -> (i32, i32) {
    %c0_i32 = arith.constant 0 : i32
    %c0_i32_0 = arith.constant 0 : i32
    %c0_i32_1 = arith.constant 0 : i32
    return %c0_i32, %c0_i32_0 : i32, i32
  }
  func.func @transform_11(%arg0: i32) -> (i32, i32) {
    %c0_i32 = arith.constant 0 : i32
    %c0_i32_0 = arith.constant 0 : i32
    %c0_i32_1 = arith.constant 0 : i32
    return %c0_i32, %c0_i32_0 : i32, i32
  }
}

</mosaic_0001>

<sc_bundles>
// kernel: _run.4.cloned.1.call-start
scs
__scs_entry_jumppad:
0x0: {  	(pc) =	sbr.rel $0x88, $3  }
0x1: {  	(tag) =	ssettag $0x0;
	lr =	simm.s32 $0x1  }
0x2: {  	[smem:$0x3F97] =	sst lr;
	_ =	strace $0xD0000000  }
0x3: {  	_ = 	snop  }
0x4: {  	_ = 	snop  }
0x5: {  	_ = 	snop  }
0x6: {  	_ = 	snop  }
0x7: {  	_ = 	snop  }
__scs_overlays_trampoline_lowered:
0x8: {  	[smem:$0x3FA6] =	sst s0  }
0x9: {  	[smem:$0x3FA7] =	sst s1  }
0xa: {  	[smem:$0x3FA8] =	sst s2  }
0xb: {  	[smem:$0x3FA9] =	sst s3  }
0xc: {  	[smem:$0x3FAA] =	sst s4  }
0xd: {  	[smem:$0x3FAB] =	sst s5  }
0xe: {  	[smem:$0x3FAC] =	sst s6  }
0xf: {  	[smem:$0x3FAD] =	sst s7  }
0x10: {  	[smem:$0x3FAE] =	sst s8  }
0x11: {  	[smem:$0x3FAF] =	sst s9;
	s0 =	simm.s32 @!p0 $0x0  }
0x12: {  	s1 =	sld [smem:$0x3F95];
	s0 =	simm.s32 @p0 $0x1  }
0x13: {  	[smem:$0x3FB0] =	sst s0;
	s0 =	simm.s32 @!p1 $0x0  }
0x14: {  	s2 =	sld [smem:$0x3F94];
	s0 =	simm.s32 @p1 $0x1  }
0x15: {  	[smem:$0x3FB1] =	sst s0;
	s0 =	simm.s32 @!p2 $0x0  }
0x16: {  	s3 =	sld [smem:$0x3FDB];
	s0 =	simm.s32 @p2 $0x1  }
0x17: {  	s4 =	simm.s32 $0x1BF5;
	[smem:$0x3FB3] =	sst s0  }
0x18: {  	s0 =	sld [smem:$0x3F96];
	_ =	swait.ge [sflag:s4], $0x0  }
0x19: {  	s7 =	sld [smem:$0x3F97]  }
0x1a: {  	s8 =	sadd.s32 $0xFFFFE003, lr  }
0x1b: {  	s9 =	sadd.s32 $0xFFFFFEF7, lr;
	s5 =	simm.s32 $0xFFFFFFFF;
	p2 =	slt.u32 s8, $0xFFFFF086  }
0x1c: {  	p1 =	slt.u32 s9, $0xF7A;
	s5 =	simm.s32 @!p2 $0x0  }
0x1d: {  	s5 =	simm.s32 @p1 $0x1;
	p0 =	seq.s32 s7, s2  }
0x1e: {  	s7 =	smul.u32 @!p0 $0xF7A, s2;
	p2 =	seq.s32 @!p0 s5, $0x0  }
0x1f: {  	s9 =	smul.u32 $0xF7A, s1;
	s8 =	simm.s32 @!p0 $0x1BF5;
	p2 =	por !p2, p0  }
0x20: {  	[sflag:s8] =	ssyncset.s32 @!p0 $0xFFFFF086;
	s6 =	sadd.s32 @!p0 s3, s7;
	s7 =	simm.s32 @!p0 $0x108  }
0x21: {  	s3 =	sadd.s32 s3, s9;
	s6 =	sadd.s32 @!p0 $0x88, s6;
	s7 =	simm.s32 @p2 $0x1082  }
0x22: {  	[simem:s7], [sflag:s8] =	dma.local @!p0 [hbm:s6], $0xF7A  }
0x23: {  	s9 =	sor.u32 $0xD0000000, s2;
	s6 =	simm.s32 $0x108;
	_ =	swait.ge @!p0 [sflag:s8], $0x0  }
0x24: {  	s3 =	sadd.s32 $0x88, s3;
	s6 =	simm.s32 @!p1 $0x1082;
	[sflag:s4] =	ssyncset.s32 $0xFFFFF086  }
0x25: {  	[simem:s6], [sflag:s4] =	dma.local [hbm:s3], $0xF7A  }
0x26: {  	[smem:$0x3F97] =	sst s1;
	(tag) =	ssettag s2;
	_ =	strace s9  }
0x27: {  	s1 =	sld [smem:$0x3FA7]  }
0x28: {  	s2 =	sld [smem:$0x3FA8]  }
0x29: {  	s4 =	sld [smem:$0x3FAA]  }
0x2a: {  	p0 =	seq.s32 s5, $0x0;
	s5 =	sld [smem:$0x3FAB]  }
0x2b: {  	s6 =	sld [smem:$0x3FAC]  }
0x2c: {  	s7 =	sld [smem:$0x3FAD]  }
0x2d: {  	s3 =	simm.s32 $0x108;
	s8 =	sld [smem:$0x3FAE]  }
0x2e: {  	s3 =	simm.s32 @!p0 $0x1082;
	s9 =	sld [smem:$0x3FAF]  }
0x2f: {  	lr =	sadd.s32 s0, s3;
	s0 =	sld [smem:$0x3FA6]  }
0x30: {  	s3 =	sld [smem:$0x3FA9]  }
0x31: {  	[smem:$0x3FB2] =	sst s10  }
0x32: {  	s10 =	sld [smem:$0x3FB0];
	_ =	sdelay $0x3  }
0x33: {  	p0 =	seq.s32 s10, $0x1;
	s10 =	sld [smem:$0x3FB2];
	_ =	sdelay $0x3  }
0x34: {  	[smem:$0x3FB2] =	sst s10  }
0x35: {  	s10 =	sld [smem:$0x3FB1];
	_ =	sdelay $0x3  }
0x36: {  	p1 =	seq.s32 s10, $0x1;
	s10 =	sld [smem:$0x3FB2];
	_ =	sdelay $0x3  }
0x37: {  	[smem:$0x3FB2] =	sst s10  }
0x38: {  	s10 =	sld [smem:$0x3FB3]  }
0x39: {  	_ = 	snop;
	(pc) =	sbr.ind lr, $3  }
0x3a: {  	_ = 	snop  }
0x3b: {  	_ = 	snop  }
0x3c: {  	p2 =	seq.s32 s10, $0x1;
	s10 =	sld [smem:$0x3FB2]  }
0x3d: {  	_ =	shalt  }
0x3e: {  	_ =	shalt  }
0x3f: {  	_ =	shalt  }
0x40: {  	_ =	shalt  }
0x41: {  	_ =	shalt  }
0x42: {  	_ =	shalt  }
0x43: {  	_ =	shalt  }
0x44: {  	_ =	shalt  }
0x45: {  	_ =	shalt  }
0x46: {  	_ =	shalt  }
0x47: {  	_ =	shalt  }
0x48: {  	_ =	shalt  }
0x49: {  	_ =	shalt  }
0x4a: {  	_ =	shalt  }
0x4b: {  	_ =	shalt  }
0x4c: {  	_ =	shalt  }
0x4d: {  	_ =	shalt  }
0x4e: {  	_ =	shalt  }
0x4f: {  	_ =	shalt  }
0x50: {  	_ =	shalt  }
0x51: {  	_ =	shalt  }
0x52: {  	_ =	shalt  }
0x53: {  	_ =	shalt  }
0x54: {  	_ =	shalt  }
0x55: {  	_ =	shalt  }
0x56: {  	_ =	shalt  }
0x57: {  	_ =	shalt  }
0x58: {  	_ =	shalt  }
0x59: {  	_ =	shalt  }
0x5a: {  	_ =	shalt  }
0x5b: {  	_ =	shalt  }
0x5c: {  	_ =	shalt  }
0x5d: {  	_ =	shalt  }
0x5e: {  	_ =	shalt  }
0x5f: {  	_ =	shalt  }
0x60: {  	_ =	shalt  }
0x61: {  	_ =	shalt  }
0x62: {  	_ =	shalt  }
0x63: {  	_ =	shalt  }
0x64: {  	_ =	shalt  }
0x65: {  	_ =	shalt  }
0x66: {  	_ =	shalt  }
0x67: {  	_ =	shalt  }
0x68: {  	_ =	shalt  }
0x69: {  	_ =	shalt  }
0x6a: {  	_ =	shalt  }
0x6b: {  	_ =	shalt  }
0x6c: {  	_ =	shalt  }
0x6d: {  	_ =	shalt  }
0x6e: {  	_ =	shalt  }
0x6f: {  	_ =	shalt  }
0x70: {  	_ =	shalt  }
0x71: {  	_ =	shalt  }
0x72: {  	_ =	shalt  }
0x73: {  	_ =	shalt  }
0x74: {  	_ =	shalt  }
0x75: {  	_ =	shalt  }
0x76: {  	_ =	shalt  }
0x77: {  	_ =	shalt  }
0x78: {  	_ =	shalt  }
0x79: {  	_ =	shalt  }
0x7a: {  	_ =	shalt  }
0x7b: {  	_ =	shalt  }
0x7c: {  	_ =	shalt  }
0x7d: {  	_ =	shalt  }
0x7e: {  	_ =	shalt  }
0x7f: {  	_ =	shalt  }
0x80: {  	_ =	shalt  }
0x81: {  	_ =	shalt  }
0x82: {  	_ =	shalt  }
0x83: {  	_ =	shalt  }
0x84: {  	_ =	shalt  }
0x85: {  	_ =	shalt  }
0x86: {  	_ =	shalt  }
0x87: {  	_ =	shalt  }
.Lfunc_end0:
.L_simem_size_0:
called_computation_lowered:
.L_overlay_start_0:
0x88: {  	s2 =	sld [smem:$0x3FD9]  }
0x89: {  	s3 =	sld [smem:$0x3FFE];
	_ =	sdelay $0x1  }
0x8a: {  	s1 =	srdreg.scid  }
0x8b: {  	s0 =	sand.u32 $0x1, s1  }
0x8c: {  	s17 =	sshll.u32 s0, $0xA;
	s2 =	sadd.s32 s3, s2  }
0x8d: {  	s2 =	sadd.s32 s2, s17  }
0x8e: {  	[smem:$0x3FBE] =	sst s2  }
0x8f: {  	_ = 	snop  }
0x90: {  	s2 =	sld [smem:$0x3FC9];
	(tm) =	ssettm $0x1  }
0x91: {  	s18 =	sld [smem:$0x3FFB];
	_ =	sdelay $0x3  }
0x92: {  	_ =	strace s18  }
0x93: {  	s3 =	sld [smem:$0x3FFC];
	_ =	sdelay $0x3  }
0x94: {  	_ =	strace s3  }
0x95: {  	s3 =	sld [smem:$0x3FFD];
	_ =	sdelay $0x3  }
0x96: {  	_ =	strace s3  }
0x97: {  	_ =	strace $0x8FFFFFFF  }
0x98: {  	s19 =	sld [smem:$0x3FDB];
	_ =	sdelay $0x1  }
0x99: {  	s4 =	simm.s32 $_scs_section_size  }
0x9a: {  	s5 =	simm.s32 $_size__tile_overlayer_lowered;
	s6 =	simm.s32 $_tile_overlayer_lowered  }
0x9b: {  	s22 =	simm.s32 $0x1BFF;
	s21 =	sshll.u32 s6, $0x1;
	s3 =	sadd.s32 s4, s19  }
0x9c: {  	s7 =	simm.s32 $0x0;
	s20 =	sshll.u32 s5, $0x1;
	s5 =	sadd.s32 s21, s3  }
0x9d: {  	[timem:s7], [sflag:s22] =	dma.local [hbm:s5], s20  }
0x9e: {  	_ =	swait.ge [sflag:s22], s20  }
0x9f: {  	s4 =	ssub.s32 $0x0, s20;
	[sflag:s22] =	ssyncset.done $0x0  }
0xa0: {  	[sflag:s22] =	ssyncadd.s32 s4;
	_ =	sdelay $0x1  }
0xa1: {  	s23 =	simm.s32 $0x1B8B  }
0xa2: {  	_ =	swait.ge [sflag:s23], $0x1  }
0xa3: {  	[sflag:s23] =	ssyncset.done $0x0  }
0xa4: {  	s25 =	simm.s32 $0x1B8E;
	s24 =	sld [smem:$0x3FFE];
	[sflag:s23] =	ssyncadd.s32 $0xFFFFFFFF  }
0xa5: {  	s26 =	simm.s32 $execute0_lowered;
	[smem:$0x3FD2] =	sst s25  }
0xa6: {  	s5 =	sshll.u32 s26, $0x1;
	_ =	strace $0x80000046;
	[dreg:$0x1] =	wrdreg $0xFFFFFFFF  }
0xa7: {  	s28 =	simm.s32 $_size_execute0_lowered;
	s3 =	sadd.s32 s3, s5;
	[dreg:$0x0] =	wrdreg $0x0  }
0xa8: {  	s5 =	sshll.u32 s28, $0x1;
	[dreg:$0x2] =	wrdreg s3  }
0xa9: {  	[dreg:$0x3] =	wrdreg s5  }
0xaa: {  	[dreg:$0x4] =	wrdreg $0xC0  }
0xab: {  	_ =	task [dreg:s7], $0x5FFFF  }
0xac: {  	[dreg:$0x1] =	wrdreg $0xFFFFFFFF  }
0xad: {  	[dreg:$0x0] =	wrdreg $0x60  }
0xae: {  	[dreg:$0x2] =	wrdreg s2  }
0xaf: {  	[dreg:$0x3] =	wrdreg s24  }
0xb0: {  	[dreg:$0x4] =	wrdreg $0x0  }
0xb1: {  	[dreg:$0x5] =	wrdreg $0x9  }
0xb2: {  	_ =	task.clear_ibuf [dreg:s7], $0x6FFFF;
	_ =	strace $0x90000046  }
0xb3: {  	s29 =	simm.s32 $0x9;
	_ =	strace $0x80000048  }
0xb4: {  	_ =	swait.ge [sflag:s29], $0x1  }
0xb5: {  	[sflag:s29] =	ssyncadd.s32 $0xFFFFFFFF  }
0xb6: {  	_ =	strace $0x90000048  }
0xb7: {  	_ =	sfence  }
0xb8: {  	s30 =	sld [smem:$0x0];
	_ =	sdelay $0x2  }
0xb9: {  	s31 =	sshll.u32 s1, $0xD;
	s1 =	sshrl.u32 s1, $0x2  }
0xba: {  	s3 =	sand.u32 $0x4000, s31;
	s1 =	sadd.s32 s1, s30  }
0xbb: {  	s0 =	sor.u32 s3, s0;
	s1 =	sshll.u32 s1, $0x11  }
0xbc: {  	s0 =	sor.u32 s1, s0  }
0xbd: {  	s0 =	sadd.s32 $0x8F2B, s0  }
0xbe: {  	[sflag:s0] =	ssyncadd.remote.s32 $0x1  }
0xbf: {  	_ =	sfence.sel $0xFFFF  }
0xc0: {  	[dreg:$0x0] =	wrdreg $0xFFFFFFFF;
	(pc) =	sbr.abs _section_cstart, $3  }
0xc1: {  	[dreg:$0x1] =	wrdreg $0xFFFFFFFF  }
0xc2: {  	_ =	task.clear_ibuf [dreg:s7], $0x2FFFF;
	_ =	strace $0x9FFFFFFF  }
0xc3: {  	(tm) =	ssettm $0x7FFFFFFF  }
tec
execute0_lowered:
.L_overlay_start_1:
0x0: {  	(tag) =	ssettag $0x1  }
0x1: {  	s1 =	rddreg [dreg:$0x0]  }
0x2: {  	s0 =	rddreg [dreg:$0x1]  }
0x3: {  	s3 =	rddreg [dreg:$0x2]  }
0x4: {  	s4 =	simm.s32 $0x0;
	s2 =	srdreg.scid;
	s26 =	stileid.u32  }
0x5: {  	s28 =	simm.s32 $0x14000;
	s29 =	simm.s32 $0x1;
	s30 =	simm.s32 $0x2  }
0x6: {  	s31 =	simm.s32 $0x0;
	[smem:$0x7FF] =	sst s4;
	s2 =	sand.u32 $0x1, s2  }
0x7: {  	s5 =	smul.u32 $0x2800, s26;
	s7 =	sshll.u32 s26, $0x1;
	s14 =	sadd.s32 $0xB800, s0  }
0x8: {  	s8 =	smul.u32 $0x50000, s26;
	s15 =	sadd.s32 $0x1A00, s0;
	s25 =	sshll.u32 s26, $0x5  }
0x9: {  	p0 =	sgt.u32 s26, $0x1;
	s26 =	simm.s32 $0x1AA00;
	_ =	strace $0x80000047  }
0xa: {  	s6 =	smul.u32 $0x28000, s2;
	s7 =	sor.u32 s2, s7;
	s9 =	ssub.s32 $0x2, s2  }
0xb: {  	s17 =	sadd.s32 s25, s14;
	s2 =	sshll.u32 s2, $0x4;
	s18 =	smul.u32 $0x500, s7  }
0xc: {  	s19 =	sshrl.u32 s8, $0x2;
	s20 =	sshrl.u32 s9, $0x1;
	s22 =	sshll.u32 s7, $0x4  }
0xd: {  	s5 =	sadd.s32 s5, s6;
	s16 =	ssub.s32 s9, s20;
	s11 =	sor.u32 $0x9C00, s22  }
0xe: {  	s20 =	simm.s32 $0x16880;
	s22 =	simm.s32 $0x1A980;
	s12 =	sadd.s32 s5, s0  }
0xf: {  	s0 =	sadd.s32 s18, s0;
	s5 =	sadd.s32 s19, s3;
	s10 =	sadd.s32 s14, s11  }
0x10: {  	s11 =	sadd.s32 s15, s11;
	s14 =	smax.u32 s16, $0x1;
	s18 =	simm.s32 $0x5  }
0x11: {  	s19 =	simm.s32 $0x16800;
	s21 =	sadd.s32 $0x4000, s5;
	s23 =	sadd.s32 $0x8000, s5  }
0x12: {  	s24 =	sadd.s32 $0xC000, s5;
	s9 =	sadd.s32 $0x10000, s5;
	s12 =	sadd.s32 $0x1F600, s12  }
0x13: {  	s13 =	sadd.s32 $0x15600, s0;
	s0 =	sadd.s32 s25, s15;
	[dreg:$0x4] =	wrdreg s21  }
0x14: {  	s15 =	sadd.s32 s2, s17;
	s17 =	simm.s32 $0x16900;
	[dreg:$0x5] =	wrdreg s23  }
0x15: {  	s25 =	simm.s32 $0x4;
	[dreg:$0x6] =	wrdreg s24;
	s16 =	sadd.s32 s2, s0  }
0x16: {  	v0 =	vimm.f32 $0.0e+00;
	v1 =	vimm.f32 $1.000000000e+00;
	s21 =	simm.s32 $0x1A900;
	s23 =	simm.s32 $0x3;
	s24 =	simm.s32 $0x80  }
.LBB2_1:
0x17: {  	s0 =	simm.s32 $0x0;
	s2 =	simm.s32 $0x200  }
.LBB2_2:
0x18: {  	p1 =	sne.s32 s2, $0xFE00;
	[tilespmem:s0+$0x16970] =	vst v0  }
0x19: {  	[tilespmem:s0+$0x16900] =	vst v0  }
0x1a: {  	[tilespmem:s0+$0x16910] =	vst v0  }
.Ltmp0:
0x1b: {  	[tilespmem:s0+$0x16920] =	vst v0;
	(pc) =	sbr.rel @p1 .LBB2_2-.Ltmp0, $4  }
0x1c: {  	[tilespmem:s0+$0x16930] =	vst v0  }
0x1d: {  	[tilespmem:s0+$0x16940] =	vst v0  }
0x1e: {  	[tilespmem:s0+$0x16950] =	vst v0  }
0x1f: {  	[tilespmem:s0+$0x16960] =	vst v0;
	s0 =	sshra.s32 s2, $0x2;
	s2 =	sadd.s32 $0x200, s2  }
0x20: {  	[tilespmem:s0+$0x16970] =	vst v0  }
0x21: {  	[tilespmem:s0+$0x16900] =	vst v0  }
0x22: {  	[tilespmem:s0+$0x16910] =	vst v0  }
0x23: {  	[tilespmem:s0+$0x16920] =	vst v0  }
0x24: {  	[tilespmem:s0+$0x16930] =	vst v0  }
0x25: {  	[tilespmem:s0+$0x16940] =	vst v0  }
0x26: {  	[tilespmem:s0+$0x16950] =	vst v0  }
0x27: {  	[tilespmem:s0+$0x16960] =	vst v0;
	s0 =	simm.s32 $0x0;
	s2 =	simm.s32 $0x200  }
.LBB2_4:
0x28: {  	p1 =	sne.s32 s2, $0x9E00;
	[tilespmem:s0+$0x14070] =	vst v0  }
0x29: {  	[tilespmem:s0+$0x14000] =	vst v0  }
0x2a: {  	[tilespmem:s0+$0x14010] =	vst v0  }
.Ltmp1:
0x2b: {  	[tilespmem:s0+$0x14020] =	vst v0;
	(pc) =	sbr.rel @p1 .LBB2_4-.Ltmp1, $4  }
0x2c: {  	[tilespmem:s0+$0x14030] =	vst v0  }
0x2d: {  	[tilespmem:s0+$0x14040] =	vst v0  }
0x2e: {  	[tilespmem:s0+$0x14050] =	vst v0  }
0x2f: {  	[tilespmem:s0+$0x14060] =	vst v0;
	s0 =	sshra.s32 s2, $0x2;
	s2 =	sadd.s32 $0x200, s2  }
0x30: {  	[tilespmem:s0+$0x14070] =	vst v0  }
0x31: {  	[tilespmem:s0+$0x14000] =	vst v0  }
0x32: {  	[tilespmem:s0+$0x14010] =	vst v0  }
0x33: {  	[tilespmem:s0+$0x14020] =	vst v0  }
0x34: {  	[tilespmem:s0+$0x14030] =	vst v0  }
0x35: {  	[tilespmem:s0+$0x14040] =	vst v0  }
0x36: {  	[tilespmem:s0+$0x14050] =	vst v0  }
0x37: {  	[tilespmem:s0+$0x14060] =	vst v0  }
0x38: {  	[spmem:s5] =	stream.linear.scatter [tilespmem:s17], [sflag:$0x5], $0x4000, $0x38;
	[tilespmem:$0x1EA00] =	vst v63  }
0x39: {  	_ =	swait.ge [sflag:s18], $0x4000  }
0x3a: {  	[sflag:s18] =	ssyncset.done $0x0  }
0x3b: {  	s6 =	rddreg [dreg:$0x4];
	[sflag:s18] =	ssyncadd.s32 $0xFFFFC000  }
0x3c: {  	[spmem:s6] =	stream.linear.scatter [tilespmem:s17], [sflag:$0x5], $0x4000, $0x38;
	[tilespmem:$0x1EA00] =	vst v63  }
0x3d: {  	_ =	swait.ge [sflag:s18], $0x4000  }
0x3e: {  	[sflag:s18] =	ssyncset.done $0x0  }
0x3f: {  	s7 =	rddreg [dreg:$0x5];
	[sflag:s18] =	ssyncadd.s32 $0xFFFFC000  }
0x40: {  	[spmem:s7] =	stream.linear.scatter [tilespmem:s17], [sflag:$0x5], $0x4000, $0x38;
	[tilespmem:$0x1EA00] =	vst v63  }
0x41: {  	_ =	swait.ge [sflag:s18], $0x4000  }
0x42: {  	[sflag:s18] =	ssyncset.done $0x0  }
0x43: {  	s8 =	rddreg [dreg:$0x6];
	[sflag:s18] =	ssyncadd.s32 $0xFFFFC000  }
0x44: {  	[spmem:s8] =	stream.linear.scatter [tilespmem:s17], [sflag:$0x5], $0x4000, $0x38;
	[tilespmem:$0x1EA00] =	vst v63  }
0x45: {  	_ =	swait.ge [sflag:s18], $0x4000  }
0x46: {  	[sflag:s18] =	ssyncset.done $0x0  }
0x47: {  	[sflag:s18] =	ssyncadd.s32 $0xFFFFC000  }
0x48: {  	[spmem:s9] =	stream.linear.scatter [tilespmem:s17], [sflag:$0x5], $0x4000, $0x38;
	[tilespmem:$0x1EA00] =	vst v63  }
0x49: {  	_ =	swait.ge [sflag:s18], $0x4000  }
0x4a: {  	[sflag:s18] =	ssyncset.done $0x0  }
0x4b: {  	[sflag:s18] =	ssyncadd.s32 $0xFFFFC000  }
0x4c: {  	s0 =	simm.s32 $0x0;
	[bflag:$0x0] =	sbarrier.arrive $0xFFFF  }
.LBB2_6:
0x4d: {  	s2 =	sadd.s32 s0, s15  }
0x4e: {  	[tilespmem:s19], [sflag:$0x3] =	stream.linear.gather [hbm4b:s2+s4], $0x80, $0x38;
	[tilespmem:$0x1EA00] =	vst v63  }
0x4f: {  	s6 =	sadd.s32 s0, s16  }
0x50: {  	[tilespmem:s20], [sflag:$0x3] =	stream.linear.gather [hbm4b:s6+s4], $0x80, $0x38;
	[tilespmem:$0x1EA00] =	vst v63  }
0x51: {  	s2 =	sadd.s32 $0x200, s2  }
0x52: {  	[tilespmem:s21], [sflag:$0x4] =	stream.linear.gather [hbm4b:s2+s4], $0x80, $0x38;
	[tilespmem:$0x1EA00] =	vst v63  }
0x53: {  	s8 =	sadd.s32 $0x200, s6  }
0x54: {  	[tilespmem:s22], [sflag:$0x4] =	stream.linear.gather [hbm4b:s8+s4], $0x80, $0x38;
	[tilespmem:$0x1EA00] =	vst v63  }
0x55: {  	_ =	swait.ge [sflag:s23], $0x80  }
0x56: {  	[sflag:s23] =	ssyncset.done $0x0  }
0x57: {  	[sflag:s23] =	ssyncadd.s32 $0xFFFFFF80  }
0x58: {  	_ =	swait.ge [sflag:s23], $0x80  }
0x59: {  	[sflag:s23] =	ssyncset.done $0x0  }
0x5a: {  	[sflag:s23] =	ssyncadd.s32 $0xFFFFFF80  }
0x5b: {  	[tilespmem:s17], [sflag:$0x1] =	stream.indirect.gather [hbm4b:s1+s24], $0x80, s19, s24, $0xb8;
	[tilespmem:$0x1EA00] =	vst v63  }
0x5c: {  	_ =	swait.ge [sflag:s25], $0x80  }
0x5d: {  	[sflag:s25] =	ssyncset.done $0x0  }
0x5e: {  	[sflag:s25] =	ssyncadd.s32 $0xFFFFFF80  }
0x5f: {  	_ =	swait.ge [sflag:s25], $0x80  }
0x60: {  	[sflag:s25] =	ssyncset.done $0x0  }
0x61: {  	[sflag:s25] =	ssyncadd.s32 $0xFFFFFF80  }
0x62: {  	[tilespmem:s26], [sflag:$0x2] =	stream.indirect.gather [hbm4b:s1+s24], $0x80, s21, s24, $0xb8;
	[tilespmem:$0x1EA00] =	vst v63  }
0x63: {  	v2 =	vld [tilespmem:$0x16880];
	_ =	sdelay $0x7  }
0x64: {  	[tilespmem:v2+s28+$0x0] =	vst.idx.add.f32.msk $0xffff, v1  }
0x65: {  	v2 =	vld [tilespmem:$0x16890];
	_ =	sdelay $0x7  }
0x66: {  	[tilespmem:v2+s28+$0x0] =	vst.idx.add.f32.msk $0xffff, v1  }
0x67: {  	v2 =	vld [tilespmem:$0x168A0];
	_ =	sdelay $0x7  }
0x68: {  	[tilespmem:v2+s28+$0x0] =	vst.idx.add.f32.msk $0xffff, v1  }
0x69: {  	v2 =	vld [tilespmem:$0x168B0];
	_ =	sdelay $0x7  }
0x6a: {  	[tilespmem:v2+s28+$0x0] =	vst.idx.add.f32.msk $0xffff, v1  }
0x6b: {  	v2 =	vld [tilespmem:$0x168C0];
	_ =	sdelay $0x7  }
0x6c: {  	[tilespmem:v2+s28+$0x0] =	vst.idx.add.f32.msk $0xffff, v1  }
0x6d: {  	v2 =	vld [tilespmem:$0x168D0];
	_ =	sdelay $0x7  }
0x6e: {  	[tilespmem:v2+s28+$0x0] =	vst.idx.add.f32.msk $0xffff, v1  }
0x6f: {  	v2 =	vld [tilespmem:$0x168E0];
	_ =	sdelay $0x7  }
0x70: {  	[tilespmem:v2+s28+$0x0] =	vst.idx.add.f32.msk $0xffff, v1  }
0x71: {  	v2 =	vld [tilespmem:$0x168F0];
	_ =	sdelay $0x7  }
0x72: {  	[tilespmem:v2+s28+$0x0] =	vst.idx.add.f32.msk $0xffff, v1  }
0x73: {  	_ =	swait.ge [sflag:s29], $0x4000  }
0x74: {  	[sflag:s29] =	ssyncset.done $0x0  }
0x75: {  	[sflag:s29] =	ssyncadd.s32 $0xFFFFC000  }
0x76: {  	[spmem:s3] =	stream.indirect.scatter.add.f32 [tilespmem:s17], [sflag:$0x5], $0x80, s20, s24, $0xb8;
	[tilespmem:$0x1EA00] =	vst v63  }
0x77: {  	_ =	swait.ge [sflag:s18], $0x4000  }
0x78: {  	[sflag:s18] =	ssyncset.done $0x0  }
0x79: {  	[sflag:s18] =	ssyncadd.s32 $0xFFFFC000  }
0x7a: {  	v2 =	vld [tilespmem:$0x1A980];
	_ =	sdelay $0x7  }
0x7b: {  	[tilespmem:v2+s28+$0x0] =	vst.idx.add.f32.msk $0xffff, v1  }
0x7c: {  	v2 =	vld [tilespmem:$0x1A990];
	_ =	sdelay $0x7  }
0x7d: {  	[tilespmem:v2+s28+$0x0] =	vst.idx.add.f32.msk $0xffff, v1  }
0x7e: {  	v2 =	vld [tilespmem:$0x1A9A0];
	_ =	sdelay $0x7  }
0x7f: {  	[tilespmem:v2+s28+$0x0] =	vst.idx.add.f32.msk $0xffff, v1  }
0x80: {  	v2 =	vld [tilespmem:$0x1A9B0];
	_ =	sdelay $0x7  }
0x81: {  	[tilespmem:v2+s28+$0x0] =	vst.idx.add.f32.msk $0xffff, v1  }
0x82: {  	v2 =	vld [tilespmem:$0x1A9C0];
	_ =	sdelay $0x7  }
0x83: {  	[tilespmem:v2+s28+$0x0] =	vst.idx.add.f32.msk $0xffff, v1  }
0x84: {  	v2 =	vld [tilespmem:$0x1A9D0];
	_ =	sdelay $0x7  }
0x85: {  	[tilespmem:v2+s28+$0x0] =	vst.idx.add.f32.msk $0xffff, v1  }
0x86: {  	v2 =	vld [tilespmem:$0x1A9E0];
	_ =	sdelay $0x7  }
0x87: {  	[tilespmem:v2+s28+$0x0] =	vst.idx.add.f32.msk $0xffff, v1  }
0x88: {  	v2 =	vld [tilespmem:$0x1A9F0];
	_ =	sdelay $0x7  }
0x89: {  	[tilespmem:v2+s28+$0x0] =	vst.idx.add.f32.msk $0xffff, v1  }
0x8a: {  	_ =	swait.ge [sflag:s30], $0x4000  }
0x8b: {  	p1 =	sne.s32 s0, $0x9800;
	[sflag:s30] =	ssyncset.done $0x0  }
.Ltmp2:
0x8c: {  	[sflag:s30] =	ssyncadd.s32 $0xFFFFC000;
	(pc) =	sbr.rel @p1 .LBB2_6-.Ltmp2, $4  }
0x8d: {  	[spmem:s3] =	stream.indirect.scatter.add.f32 [tilespmem:s26], [sflag:$0x5], $0x80, s22, s24, $0xb8;
	[tilespmem:$0x1EA00] =	vst v63  }
0x8e: {  	_ =	swait.ge [sflag:s18], $0x4000  }
0x8f: {  	[sflag:s18] =	ssyncset.done $0x0  }
0x90: {  	s0 =	sadd.s32 $0x400, s0;
	[sflag:s18] =	ssyncadd.s32 $0xFFFFC000  }
0x91: {  	s0 =	simm.s32 @!p0 $0x0;
	s2 =	simm.s32 @!p0 $0x16800;
	s6 =	simm.s32 @!p0 $0x5  }
0x92: {  	[tilespmem:s2], [sflag:$0x5] =	stream.linear.gather @!p0 [hbm4b:s10+s0], $0x80, $0x38;
	[tilespmem:$0x1EA00] =	vst v63  }
0x93: {  	_ =	swait.ge @!p0 [sflag:s6], $0x80  }
0x94: {  	[sflag:s6] =	ssyncset.done @!p0 $0x0  }
0x95: {  	s7 =	simm.s32 @!p0 $0x16880;
	[sflag:s6] =	ssyncadd.s32 @!p0 $0xFFFFFF80  }
0x96: {  	[tilespmem:s7], [sflag:$0x5] =	stream.linear.gather @!p0 [hbm4b:s11+s0], $0x80, $0x38;
	[tilespmem:$0x1EA00] =	vst v63  }
0x97: {  	_ =	swait.ge @!p0 [sflag:s6], $0x80  }
0x98: {  	[sflag:s6] =	ssyncset.done @!p0 $0x0  }
0x99: {  	s8 =	simm.s32 @!p0 $0x16900;
	s0 =	simm.s32 @!p0 $0x80;
	[sflag:s6] =	ssyncadd.s32 @!p0 $0xFFFFFF80  }
0x9a: {  	[tilespmem:s8], [sflag:$0x1] =	stream.indirect.gather @!p0 [hbm4b:s1+s0], $0x80, s2, s0, $0xb8;
	[tilespmem:$0x1EA00] =	vst v63  }
0x9b: {  	v2 =	vld @!p0 [tilespmem:$0x16880];
	_ =	sdelay $0x6  }
0x9c: {  	v3 =	vimm.f32 @!p0 $1.000000000e+00;
	s2 =	simm.s32 @!p0 $0x14000  }
0x9d: {  	[tilespmem:v2+s2+$0x0] =	vst.idx.add.f32.msk @!p0 $0xffff, v3  }
0x9e: {  	v2 =	vld @!p0 [tilespmem:$0x16890];
	_ =	sdelay $0x7  }
0x9f: {  	[tilespmem:v2+s2+$0x0] =	vst.idx.add.f32.msk @!p0 $0xffff, v3  }
0xa0: {  	v2 =	vld @!p0 [tilespmem:$0x168A0];
	_ =	sdelay $0x7  }
0xa1: {  	[tilespmem:v2+s2+$0x0] =	vst.idx.add.f32.msk @!p0 $0xffff, v3  }
0xa2: {  	v2 =	vld @!p0 [tilespmem:$0x168B0];
	_ =	sdelay $0x7  }
0xa3: {  	[tilespmem:v2+s2+$0x0] =	vst.idx.add.f32.msk @!p0 $0xffff, v3  }
0xa4: {  	v2 =	vld @!p0 [tilespmem:$0x168C0];
	_ =	sdelay $0x7  }
0xa5: {  	[tilespmem:v2+s2+$0x0] =	vst.idx.add.f32.msk @!p0 $0xffff, v3  }
0xa6: {  	v2 =	vld @!p0 [tilespmem:$0x168D0];
	_ =	sdelay $0x7  }
0xa7: {  	[tilespmem:v2+s2+$0x0] =	vst.idx.add.f32.msk @!p0 $0xffff, v3  }
0xa8: {  	v2 =	vld @!p0 [tilespmem:$0x168E0];
	_ =	sdelay $0x7  }
0xa9: {  	[tilespmem:v2+s2+$0x0] =	vst.idx.add.f32.msk @!p0 $0xffff, v3  }
0xaa: {  	v2 =	vld @!p0 [tilespmem:$0x168F0];
	_ =	sdelay $0x7  }
0xab: {  	[tilespmem:v2+s2+$0x0] =	vst.idx.add.f32.msk @!p0 $0xffff, v3;
	s2 =	simm.s32 @!p0 $0x1  }
0xac: {  	_ =	swait.ge @!p0 [sflag:s2], $0x4000  }
0xad: {  	[sflag:s2] =	ssyncset.done @!p0 $0x0  }
0xae: {  	[sflag:s2] =	ssyncadd.s32 @!p0 $0xFFFFC000  }
0xaf: {  	[spmem:s3] =	stream.indirect.scatter.add.f32 @!p0 [tilespmem:s8], [sflag:$0x5], $0x80, s7, s0, $0xb8;
	[tilespmem:$0x1EA00] =	vst v63  }
0xb0: {  	_ =	swait.ge @!p0 [sflag:s6], $0x4000  }
0xb1: {  	s7 =	stileid.u32;
	[sflag:s6] =	ssyncset.done @!p0 $0x0  }
0xb2: {  	s0 =	sshll.u32 s7, $0x6;
	[sflag:s6] =	ssyncadd.s32 @!p0 $0xFFFFC000  }
0xb3: {  	s8 =	sshrl.u32 s5, $0x3;
	s0 =	sor.u32 $0x1C05, s0;
	[bflag:$0x0] =	sbarrier.arrive $0xFFFF  }
0xb4: {  	[hbm:s12], [sflag:s0] =	dma.local [spmem:s8], $0x2800  }
0xb5: {  	s31 =	sadd.s32 $0x1, s31;
	_ =	swait.ge [sflag:s18], $0x2800  }
0xb6: {  	p1 =	sne.s32 s31, s14;
	[sflag:s18] =	ssyncset.done $0x0  }
.Ltmp3:
0xb7: {  	[sflag:s18] =	ssyncadd.s32 $0xFFFFD800;
	(pc) =	sbr.rel @p1 .LBB2_1-.Ltmp3, $4  }
0xb8: {  	[hbm4b:s13+s4] =	stream.linear.scatter [tilespmem:s28], [sflag:$0x5], $0x2800, $0x38;
	[tilespmem:$0x1EA00] =	vst v63  }
0xb9: {  	_ =	swait.ge [sflag:s18], $0x2800  }
0xba: {  	[sflag:s18] =	ssyncset.done $0x0  }
0xbb: {  	[sflag:s18] =	ssyncadd.s32 $0xFFFFD800  }
0xbc: {  	_ =	sfence.sel $0x180000  }
0xbd: {  	[bflag:$0x0] =	sbarrier.arrive $0xFFFF  }
0xbe: {  	_ =	strace $0x90000047  }
0xbf: {  	s0 =	stileid.u32;
	[bflag:$0x2] =	sbarrier.arrive $0xFFFF  }
0xc0: {  	p0 =	sne.s32 s0, $0x0;
	s0 =	rddreg [dreg:$0x3]  }
0xc1: {  	s0 =	sadd.s32 @!p0 $0x100000, s0  }
0xc2: {  	[sflag:s0] =	ssyncadd.tile.s32 @!p0 $0x1;
	_ =	shalt  }
.Lfunc_end2:
_tile_overlayer_lowered:
.L_overlay_start_2:
0xc3: {  	(tag) =	ssettag $0x2  }
0xc4: {  	s0 =	rddreg [dreg:$0x0];
	s2 =	stileid.u32  }
0xc5: {  	s1 =	rddreg [dreg:$0x1];
	p0 =	sne.s32 s2, $0x0  }
0xc6: {  	s3 =	rddreg [dreg:$0x2];
	[bflag:$0x3] =	sbarrier.arrive $0xFFFF;
	s2 =	simm.s32 @!p0 $0x1C05  }
0xc7: {  	[timem:s3], [sflag:s2] =	dma.local @!p0 [hbm:s0], s1  }
0xc8: {  	s0 =	simm.s32 @!p0 $0x5  }
0xc9: {  	_ =	swait.ge @!p0 [sflag:s0], s1  }
0xca: {  	s1 =	ssub.s32 @!p0 $0x0, s1;
	[sflag:s0] =	ssyncset.done @!p0 $0x0  }
0xcb: {  	[sflag:s0] =	ssyncadd.s32 @!p0 s1  }
0xcc: {  	[bflag:$0x3] =	sbarrier.arrive $0xFFFF  }
0xcd: {  	_ =	shalt  }

</sc_bundles>
